<compile_context>
chip_gen: v7x
topology: tpu7x:2x2x1
jax: 0.10.2.dev20260603
libtpu: 0.0.44.dev20260713+nightly
codegen_flags: <defaults>
</compile_context>

<pallas_src>
import functools

import jax
import jax.numpy as jnp
from jax import lax
from jax.experimental import pallas as pl
from jax.experimental.pallas import tpu as pltpu
from jax.experimental.pallas import tpu_sc as plsc

D_MODEL = 64
CHUNK = 128
K = 5


@functools.cache
def _make_lookup(n_idx: int, d: int):
    info = plsc.get_sparse_core_info()
    nw = info.num_cores * info.num_subcores
    assert n_idx % (nw * CHUNK) == 0
    n_chunks = n_idx // (nw * CHUNK)
    n_groups = n_chunks // K
    assert n_chunks % K == 0 and n_groups % 2 == 0 and n_groups >= 4
    mesh = plsc.VectorSubcoreMesh(core_axis_name="c", subcore_axis_name="s")

    @functools.partial(
        pl.kernel,
        mesh=mesh,
        out_type=jax.ShapeDtypeStruct((n_idx, d), jnp.float32),
        scratch_types=[
            pltpu.VMEM((n_chunks, CHUNK), jnp.int32),
            pltpu.VMEM((2, K, CHUNK, d), jnp.float32),
            pltpu.SemaphoreType.DMA,
            pltpu.SemaphoreType.DMA,
            pltpu.SemaphoreType.DMA,
            pltpu.SemaphoreType.DMA,
        ],
        compiler_params=pltpu.CompilerParams(use_tc_tiling_on_sc=False),
    )
    def lookup(idx_hbm, table_hbm, out_hbm, idx_v, rows_v, ga, gb, oa, ob):
        wid = lax.axis_index("s") * info.num_cores + lax.axis_index("c")
        gsem = (ga, gb)
        osem = (oa, ob)
        pltpu.sync_copy(idx_hbm.at[wid], idx_v)

        def gather(t, p, k):
            return pltpu.make_async_copy(
                table_hbm.at[idx_v.at[t * K + k]], rows_v.at[p, k], gsem[p]
            )

        def write(t, p, k):
            base = (wid * n_chunks + t * K + k) * CHUNK
            return pltpu.make_async_copy(
                rows_v.at[p, k], out_hbm.at[pl.ds(base, CHUNK)], osem[p]
            )

        def fire_gathers(t, p):
            for k in range(K):
                gather(t, p, k).start()

        def drain_gathers(t, p):
            for k in range(K):
                gather(t, p, k).wait()

        def fire_writes(t, p):
            for k in range(K):
                write(t, p, k).start()

        def drain_writes(t, p):
            for k in range(K):
                write(t, p, k).wait()

        fire_gathers(0, 0)
        drain_gathers(0, 0)
        fire_writes(0, 0)
        fire_gathers(1, 1)

        def body(i, carry):
            for p in (1, 0):
                t = 2 * i + 1 + (1 - p)
                drain_gathers(t, p)
                fire_writes(t, p)
                drain_writes(t - 1, 1 - p)
                fire_gathers(t + 1, 1 - p)
            return carry

        lax.fori_loop(0, (n_groups - 2) // 2, body, 0)

        t_last = n_groups - 1
        drain_gathers(t_last, 1)
        fire_writes(t_last, 1)
        drain_writes(t_last - 1, 0)
        drain_writes(t_last, 1)

    return lookup, nw, n_chunks


def kernel(x, embedding_weight):
    b, l = x.shape
    n_idx = b * l
    lookup, nw, n_chunks = _make_lookup(n_idx, D_MODEL)
    idx3 = x.reshape(nw, n_chunks, CHUNK).astype(jnp.int32)
    out = lookup(idx3, embedding_weight)
    return out.reshape(b, l, D_MODEL)

# --- scband reference (transcript-rebuilt; emitter-appended) ---
"""Pipeline reference for scband-token-embedding-12515534701300 (READ-ONLY COPY).

The authoritative reference and input builder live on the scoring server;
editing this copy changes nothing except your own understanding.
"""

import jax, jax.numpy as jnp
import numpy as np

VOCAB = 1000000
D_MODEL = 64
B = 4096
L = 200

def setup_inputs(seed: int = 0) -> dict:
    key = jax.random.key(seed)
    k1, k2 = jax.random.split(key)
    x = jax.random.randint(k1, (B, L), 0, VOCAB, dtype=jnp.int64) if jax.config.jax_enable_x64 else jax.random.randint(k1, (B, L), 0, VOCAB, dtype=jnp.int32)
    embedding_weight = jax.random.normal(k2, (VOCAB, D_MODEL), dtype=jnp.float32)
    return {"x": x, "embedding_weight": embedding_weight}

def reference(x, embedding_weight):
    # nn.Embedding forward: gather rows of the table by index
    return jnp.take(embedding_weight, x, axis=0)

if __name__ == "__main__":
    import jax
    _d = setup_inputs()
    print(jax.jit(kernel)(*tuple(_d.values())))

</pallas_src>

<mosaic_0001>
#map = affine_map<(d0, d1) -> (0, 0, 0)>
#map1 = affine_map<(d0, d1) -> (0, 0)>
module attributes {stable_mosaic.version = 14 : i64} {
  func.func @lookup(%arg0: i32, %arg1: i32, %arg2: memref<32x200x128xi32, #tpu.memory_space<hbm>>, %arg3: memref<1000000x64xf32, #tpu.memory_space<hbm>>, %arg4: memref<819200x64xf32, #tpu.memory_space<hbm>>, %arg5: memref<200x128xi32, #tpu.memory_space<vmem>>, %arg6: memref<2x5x128x64xf32, #tpu.memory_space<vmem>>, %arg7: memref<!tpu.dma_semaphore, #tpu.memory_space<semaphore_mem>>, %arg8: memref<!tpu.dma_semaphore, #tpu.memory_space<semaphore_mem>>, %arg9: memref<!tpu.dma_semaphore, #tpu.memory_space<semaphore_mem>>, %arg10: memref<!tpu.dma_semaphore, #tpu.memory_space<semaphore_mem>>) attributes {dimension_semantics = [#tpu.dimension_semantics<core_parallel>, #tpu.dimension_semantics<subcore_parallel>], iteration_bounds = array<i64: 2, 16>, scalar_prefetch = 0 : i64, scratch_operands = 6 : i64, tpu.core_type = #tpu.core_type<sc_vector_subcore>, window_params = [{transform_indices = #map}, {transform_indices = #map1}, {transform_indices = #map1}]} {
    %mul3A = arith.constant 2 : i32
    %mul3A_0 = arith.muli %arg1, %mul3A : i32
    %add3A = arith.addi %mul3A_0, %arg0 : i32
    "tpu.region"() ({
      %run_scoped3A = tpu.sem_alloc : memref<!tpu.dma_semaphore, #tpu.memory_space<semaphore_mem>>
      %dma_start3A_704 = arith.constant 0 : i32
      %dma_start3A_705 = arith.constant 0 : i32
      %dma_start3A_706 = tpu.memref_slice %arg2[%add3A, %dma_start3A_704, %dma_start3A_705] : memref<32x200x128xi32, #tpu.memory_space<hbm>> -> memref<1x200x128xi32, #tpu.memory_space<hbm>>
      %dma_start3A_707 = tpu.memref_squeeze %dma_start3A_706 : memref<1x200x128xi32, #tpu.memory_space<hbm>> -> memref<200x128xi32, #tpu.memory_space<hbm>>
      %dma_start3A_708 = arith.constant 0 : i32
      %dma_start3A_709 = arith.constant 0 : i32
      %dma_start3A_710 = tpu.memref_slice %arg2[%add3A, %dma_start3A_708, %dma_start3A_709] : memref<32x200x128xi32, #tpu.memory_space<hbm>> -> memref<1x200x128xi32, #tpu.memory_space<hbm>>
      %dma_start3A_711 = tpu.memref_squeeze %dma_start3A_710 : memref<1x200x128xi32, #tpu.memory_space<hbm>> -> memref<200x128xi32, #tpu.memory_space<hbm>>
      tpu.enqueue_dma source(%dma_start3A_711 : memref<200x128xi32, #tpu.memory_space<hbm>>) target(%arg5 : memref<200x128xi32, #tpu.memory_space<vmem>>) target_semaphore(%run_scoped3A : memref<!tpu.dma_semaphore, #tpu.memory_space<semaphore_mem>>)
      %dma_wait3A_712 = arith.constant 0 : i32
      %dma_wait3A_713 = arith.constant 0 : i32
      %dma_wait3A_714 = tpu.memref_slice %arg2[%add3A, %dma_wait3A_712, %dma_wait3A_713] : memref<32x200x128xi32, #tpu.memory_space<hbm>> -> memref<1x200x128xi32, #tpu.memory_space<hbm>>
      %dma_wait3A_715 = tpu.memref_squeeze %dma_wait3A_714 : memref<1x200x128xi32, #tpu.memory_space<hbm>> -> memref<200x128xi32, #tpu.memory_space<hbm>>
      %dma_wait3A_716 = arith.constant 0 : i32
      %dma_wait3A_717 = arith.constant 0 : i32
      %dma_wait3A_718 = tpu.memref_slice %arg2[%add3A, %dma_wait3A_716, %dma_wait3A_717] : memref<32x200x128xi32, #tpu.memory_space<hbm>> -> memref<1x200x128xi32, #tpu.memory_space<hbm>>
      %dma_wait3A_719 = tpu.memref_squeeze %dma_wait3A_718 : memref<1x200x128xi32, #tpu.memory_space<hbm>> -> memref<200x128xi32, #tpu.memory_space<hbm>>
      tpu.wait_dma2 semaphore(%run_scoped3A : memref<!tpu.dma_semaphore, #tpu.memory_space<semaphore_mem>>) src(%dma_wait3A_719 : memref<200x128xi32, #tpu.memory_space<hbm>>) dst(%arg5 : memref<200x128xi32, #tpu.memory_space<vmem>>)
      tpu.yield
    }) : () -> ()
    %dma_start3A = arith.constant 0 : i32
    %dma_start3A_1 = arith.constant 0 : i32
    %dma_start3A_2 = arith.constant 0 : i32
    %dma_start3A_3 = arith.constant 0 : i32
    %dma_start3A_4 = arith.constant 0 : i32
    %dma_start3A_5 = tpu.memref_slice %arg6[%dma_start3A_1, %dma_start3A_2, %dma_start3A_3, %dma_start3A_4] : memref<2x5x128x64xf32, #tpu.memory_space<vmem>> -> memref<1x1x128x64xf32, #tpu.memory_space<vmem>>
    %dma_start3A_6 = tpu.memref_squeeze %dma_start3A_5 : memref<1x1x128x64xf32, #tpu.memory_space<vmem>> -> memref<128x64xf32, #tpu.memory_space<vmem>>
    %dma_start3A_7 = arith.constant 0 : i32
    %dma_start3A_8 = tpu.memref_slice %arg5[%dma_start3A, %dma_start3A_7] : memref<200x128xi32, #tpu.memory_space<vmem>> -> memref<1x128xi32, #tpu.memory_space<vmem>>
    %dma_start3A_9 = tpu.memref_squeeze %dma_start3A_8 : memref<1x128xi32, #tpu.memory_space<vmem>> -> memref<128xi32, #tpu.memory_space<vmem>>
    %dma_start3A_10 = arith.constant 0 : i32
    %dma_start3A_11 = arith.constant 0 : i32
    %dma_start3A_12 = tpu.memref_slice %arg3[%dma_start3A_10, %dma_start3A_11] : memref<1000000x64xf32, #tpu.memory_space<hbm>> -> memref<1000000x64xf32, #tpu.memory_space<hbm>>
    tpu.enqueue_indirect_dma source(%dma_start3A_12 : memref<1000000x64xf32, #tpu.memory_space<hbm>>) target(%dma_start3A_6 : memref<128x64xf32, #tpu.memory_space<vmem>>) offsets(%dma_start3A_9 : memref<128xi32, #tpu.memory_space<vmem>>) semaphore(%arg7 : memref<!tpu.dma_semaphore, #tpu.memory_space<semaphore_mem>>)
    %dma_start3A_13 = arith.constant 1 : i32
    %dma_start3A_14 = arith.constant 0 : i32
    %dma_start3A_15 = arith.constant 1 : i32
    %dma_start3A_16 = arith.constant 0 : i32
    %dma_start3A_17 = arith.constant 0 : i32
    %dma_start3A_18 = tpu.memref_slice %arg6[%dma_start3A_14, %dma_start3A_15, %dma_start3A_16, %dma_start3A_17] : memref<2x5x128x64xf32, #tpu.memory_space<vmem>> -> memref<1x1x128x64xf32, #tpu.memory_space<vmem>>
    %dma_start3A_19 = tpu.memref_squeeze %dma_start3A_18 : memref<1x1x128x64xf32, #tpu.memory_space<vmem>> -> memref<128x64xf32, #tpu.memory_space<vmem>>
    %dma_start3A_20 = arith.constant 0 : i32
    %dma_start3A_21 = tpu.memref_slice %arg5[%dma_start3A_13, %dma_start3A_20] : memref<200x128xi32, #tpu.memory_space<vmem>> -> memref<1x128xi32, #tpu.memory_space<vmem>>
    %dma_start3A_22 = tpu.memref_squeeze %dma_start3A_21 : memref<1x128xi32, #tpu.memory_space<vmem>> -> memref<128xi32, #tpu.memory_space<vmem>>
    %dma_start3A_23 = arith.constant 0 : i32
    %dma_start3A_24 = arith.constant 0 : i32
    %dma_start3A_25 = tpu.memref_slice %arg3[%dma_start3A_23, %dma_start3A_24] : memref<1000000x64xf32, #tpu.memory_space<hbm>> -> memref<1000000x64xf32, #tpu.memory_space<hbm>>
    tpu.enqueue_indirect_dma source(%dma_start3A_25 : memref<1000000x64xf32, #tpu.memory_space<hbm>>) target(%dma_start3A_19 : memref<128x64xf32, #tpu.memory_space<vmem>>) offsets(%dma_start3A_22 : memref<128xi32, #tpu.memory_space<vmem>>) semaphore(%arg7 : memref<!tpu.dma_semaphore, #tpu.memory_space<semaphore_mem>>)
    %dma_start3A_26 = arith.constant 2 : i32
    %dma_start3A_27 = arith.constant 0 : i32
    %dma_start3A_28 = arith.constant 2 : i32
    %dma_start3A_29 = arith.constant 0 : i32
    %dma_start3A_30 = arith.constant 0 : i32
    %dma_start3A_31 = tpu.memref_slice %arg6[%dma_start3A_27, %dma_start3A_28, %dma_start3A_29, %dma_start3A_30] : memref<2x5x128x64xf32, #tpu.memory_space<vmem>> -> memref<1x1x128x64xf32, #tpu.memory_space<vmem>>
    %dma_start3A_32 = tpu.memref_squeeze %dma_start3A_31 : memref<1x1x128x64xf32, #tpu.memory_space<vmem>> -> memref<128x64xf32, #tpu.memory_space<vmem>>
    %dma_start3A_33 = arith.constant 0 : i32
    %dma_start3A_34 = tpu.memref_slice %arg5[%dma_start3A_26, %dma_start3A_33] : memref<200x128xi32, #tpu.memory_space<vmem>> -> memref<1x128xi32, #tpu.memory_space<vmem>>
    %dma_start3A_35 = tpu.memref_squeeze %dma_start3A_34 : memref<1x128xi32, #tpu.memory_space<vmem>> -> memref<128xi32, #tpu.memory_space<vmem>>
    %dma_start3A_36 = arith.constant 0 : i32
    %dma_start3A_37 = arith.constant 0 : i32
    %dma_start3A_38 = tpu.memref_slice %arg3[%dma_start3A_36, %dma_start3A_37] : memref<1000000x64xf32, #tpu.memory_space<hbm>> -> memref<1000000x64xf32, #tpu.memory_space<hbm>>
    tpu.enqueue_indirect_dma source(%dma_start3A_38 : memref<1000000x64xf32, #tpu.memory_space<hbm>>) target(%dma_start3A_32 : memref<128x64xf32, #tpu.memory_space<vmem>>) offsets(%dma_start3A_35 : memref<128xi32, #tpu.memory_space<vmem>>) semaphore(%arg7 : memref<!tpu.dma_semaphore, #tpu.memory_space<semaphore_mem>>)
    %dma_start3A_39 = arith.constant 3 : i32
    %dma_start3A_40 = arith.constant 0 : i32
    %dma_start3A_41 = arith.constant 3 : i32
    %dma_start3A_42 = arith.constant 0 : i32
    %dma_start3A_43 = arith.constant 0 : i32
    %dma_start3A_44 = tpu.memref_slice %arg6[%dma_start3A_40, %dma_start3A_41, %dma_start3A_42, %dma_start3A_43] : memref<2x5x128x64xf32, #tpu.memory_space<vmem>> -> memref<1x1x128x64xf32, #tpu.memory_space<vmem>>
    %dma_start3A_45 = tpu.memref_squeeze %dma_start3A_44 : memref<1x1x128x64xf32, #tpu.memory_space<vmem>> -> memref<128x64xf32, #tpu.memory_space<vmem>>
    %dma_start3A_46 = arith.constant 0 : i32
    %dma_start3A_47 = tpu.memref_slice %arg5[%dma_start3A_39, %dma_start3A_46] : memref<200x128xi32, #tpu.memory_space<vmem>> -> memref<1x128xi32, #tpu.memory_space<vmem>>
    %dma_start3A_48 = tpu.memref_squeeze %dma_start3A_47 : memref<1x128xi32, #tpu.memory_space<vmem>> -> memref<128xi32, #tpu.memory_space<vmem>>
    %dma_start3A_49 = arith.constant 0 : i32
    %dma_start3A_50 = arith.constant 0 : i32
    %dma_start3A_51 = tpu.memref_slice %arg3[%dma_start3A_49, %dma_start3A_50] : memref<1000000x64xf32, #tpu.memory_space<hbm>> -> memref<1000000x64xf32, #tpu.memory_space<hbm>>
    tpu.enqueue_indirect_dma source(%dma_start3A_51 : memref<1000000x64xf32, #tpu.memory_space<hbm>>) target(%dma_start3A_45 : memref<128x64xf32, #tpu.memory_space<vmem>>) offsets(%dma_start3A_48 : memref<128xi32, #tpu.memory_space<vmem>>) semaphore(%arg7 : memref<!tpu.dma_semaphore, #tpu.memory_space<semaphore_mem>>)
    %dma_start3A_52 = arith.constant 4 : i32
    %dma_start3A_53 = arith.constant 0 : i32
    %dma_start3A_54 = arith.constant 4 : i32
    %dma_start3A_55 = arith.constant 0 : i32
    %dma_start3A_56 = arith.constant 0 : i32
    %dma_start3A_57 = tpu.memref_slice %arg6[%dma_start3A_53, %dma_start3A_54, %dma_start3A_55, %dma_start3A_56] : memref<2x5x128x64xf32, #tpu.memory_space<vmem>> -> memref<1x1x128x64xf32, #tpu.memory_space<vmem>>
    %dma_start3A_58 = tpu.memref_squeeze %dma_start3A_57 : memref<1x1x128x64xf32, #tpu.memory_space<vmem>> -> memref<128x64xf32, #tpu.memory_space<vmem>>
    %dma_start3A_59 = arith.constant 0 : i32
    %dma_start3A_60 = tpu.memref_slice %arg5[%dma_start3A_52, %dma_start3A_59] : memref<200x128xi32, #tpu.memory_space<vmem>> -> memref<1x128xi32, #tpu.memory_space<vmem>>
    %dma_start3A_61 = tpu.memref_squeeze %dma_start3A_60 : memref<1x128xi32, #tpu.memory_space<vmem>> -> memref<128xi32, #tpu.memory_space<vmem>>
    %dma_start3A_62 = arith.constant 0 : i32
    %dma_start3A_63 = arith.constant 0 : i32
    %dma_start3A_64 = tpu.memref_slice %arg3[%dma_start3A_62, %dma_start3A_63] : memref<1000000x64xf32, #tpu.memory_space<hbm>> -> memref<1000000x64xf32, #tpu.memory_space<hbm>>
    tpu.enqueue_indirect_dma source(%dma_start3A_64 : memref<1000000x64xf32, #tpu.memory_space<hbm>>) target(%dma_start3A_58 : memref<128x64xf32, #tpu.memory_space<vmem>>) offsets(%dma_start3A_61 : memref<128xi32, #tpu.memory_space<vmem>>) semaphore(%arg7 : memref<!tpu.dma_semaphore, #tpu.memory_space<semaphore_mem>>)
    %dma_wait3A = arith.constant 0 : i32
    %dma_wait3A_65 = arith.constant 0 : i32
    %dma_wait3A_66 = arith.constant 0 : i32
    %dma_wait3A_67 = arith.constant 0 : i32
    %dma_wait3A_68 = arith.constant 0 : i32
    %dma_wait3A_69 = tpu.memref_slice %arg6[%dma_wait3A_65, %dma_wait3A_66, %dma_wait3A_67, %dma_wait3A_68] : memref<2x5x128x64xf32, #tpu.memory_space<vmem>> -> memref<1x1x128x64xf32, #tpu.memory_space<vmem>>
    %dma_wait3A_70 = tpu.memref_squeeze %dma_wait3A_69 : memref<1x1x128x64xf32, #tpu.memory_space<vmem>> -> memref<128x64xf32, #tpu.memory_space<vmem>>
    %dma_wait3A_71 = arith.constant 0 : i32
    %dma_wait3A_72 = tpu.memref_slice %arg5[%dma_wait3A, %dma_wait3A_71] : memref<200x128xi32, #tpu.memory_space<vmem>> -> memref<1x128xi32, #tpu.memory_space<vmem>>
    %dma_wait3A_73 = tpu.memref_squeeze %dma_wait3A_72 : memref<1x128xi32, #tpu.memory_space<vmem>> -> memref<128xi32, #tpu.memory_space<vmem>>
    %dma_wait3A_74 = arith.constant 0 : i32
    %dma_wait3A_75 = arith.constant 0 : i32
    %dma_wait3A_76 = tpu.memref_slice %arg3[%dma_wait3A_74, %dma_wait3A_75] : memref<1000000x64xf32, #tpu.memory_space<hbm>> -> memref<1000000x64xf32, #tpu.memory_space<hbm>>
    tpu.wait_indirect_dma semaphore(%arg7 : memref<!tpu.dma_semaphore, #tpu.memory_space<semaphore_mem>>) src(%dma_wait3A_76 : memref<1000000x64xf32, #tpu.memory_space<hbm>>) dst(%dma_wait3A_70 : memref<128x64xf32, #tpu.memory_space<vmem>>)
    %dma_wait3A_77 = arith.constant 1 : i32
    %dma_wait3A_78 = arith.constant 0 : i32
    %dma_wait3A_79 = arith.constant 1 : i32
    %dma_wait3A_80 = arith.constant 0 : i32
    %dma_wait3A_81 = arith.constant 0 : i32
    %dma_wait3A_82 = tpu.memref_slice %arg6[%dma_wait3A_78, %dma_wait3A_79, %dma_wait3A_80, %dma_wait3A_81] : memref<2x5x128x64xf32, #tpu.memory_space<vmem>> -> memref<1x1x128x64xf32, #tpu.memory_space<vmem>>
    %dma_wait3A_83 = tpu.memref_squeeze %dma_wait3A_82 : memref<1x1x128x64xf32, #tpu.memory_space<vmem>> -> memref<128x64xf32, #tpu.memory_space<vmem>>
    %dma_wait3A_84 = arith.constant 0 : i32
    %dma_wait3A_85 = tpu.memref_slice %arg5[%dma_wait3A_77, %dma_wait3A_84] : memref<200x128xi32, #tpu.memory_space<vmem>> -> memref<1x128xi32, #tpu.memory_space<vmem>>
    %dma_wait3A_86 = tpu.memref_squeeze %dma_wait3A_85 : memref<1x128xi32, #tpu.memory_space<vmem>> -> memref<128xi32, #tpu.memory_space<vmem>>
    %dma_wait3A_87 = arith.constant 0 : i32
    %dma_wait3A_88 = arith.constant 0 : i32
    %dma_wait3A_89 = tpu.memref_slice %arg3[%dma_wait3A_87, %dma_wait3A_88] : memref<1000000x64xf32, #tpu.memory_space<hbm>> -> memref<1000000x64xf32, #tpu.memory_space<hbm>>
    tpu.wait_indirect_dma semaphore(%arg7 : memref<!tpu.dma_semaphore, #tpu.memory_space<semaphore_mem>>) src(%dma_wait3A_89 : memref<1000000x64xf32, #tpu.memory_space<hbm>>) dst(%dma_wait3A_83 : memref<128x64xf32, #tpu.memory_space<vmem>>)
    %dma_wait3A_90 = arith.constant 2 : i32
    %dma_wait3A_91 = arith.constant 0 : i32
    %dma_wait3A_92 = arith.constant 2 : i32
    %dma_wait3A_93 = arith.constant 0 : i32
    %dma_wait3A_94 = arith.constant 0 : i32
    %dma_wait3A_95 = tpu.memref_slice %arg6[%dma_wait3A_91, %dma_wait3A_92, %dma_wait3A_93, %dma_wait3A_94] : memref<2x5x128x64xf32, #tpu.memory_space<vmem>> -> memref<1x1x128x64xf32, #tpu.memory_space<vmem>>
    %dma_wait3A_96 = tpu.memref_squeeze %dma_wait3A_95 : memref<1x1x128x64xf32, #tpu.memory_space<vmem>> -> memref<128x64xf32, #tpu.memory_space<vmem>>
    %dma_wait3A_97 = arith.constant 0 : i32
    %dma_wait3A_98 = tpu.memref_slice %arg5[%dma_wait3A_90, %dma_wait3A_97] : memref<200x128xi32, #tpu.memory_space<vmem>> -> memref<1x128xi32, #tpu.memory_space<vmem>>
    %dma_wait3A_99 = tpu.memref_squeeze %dma_wait3A_98 : memref<1x128xi32, #tpu.memory_space<vmem>> -> memref<128xi32, #tpu.memory_space<vmem>>
    %dma_wait3A_100 = arith.constant 0 : i32
    %dma_wait3A_101 = arith.constant 0 : i32
    %dma_wait3A_102 = tpu.memref_slice %arg3[%dma_wait3A_100, %dma_wait3A_101] : memref<1000000x64xf32, #tpu.memory_space<hbm>> -> memref<1000000x64xf32, #tpu.memory_space<hbm>>
    tpu.wait_indirect_dma semaphore(%arg7 : memref<!tpu.dma_semaphore, #tpu.memory_space<semaphore_mem>>) src(%dma_wait3A_102 : memref<1000000x64xf32, #tpu.memory_space<hbm>>) dst(%dma_wait3A_96 : memref<128x64xf32, #tpu.memory_space<vmem>>)
    %dma_wait3A_103 = arith.constant 3 : i32
    %dma_wait3A_104 = arith.constant 0 : i32
    %dma_wait3A_105 = arith.constant 3 : i32
    %dma_wait3A_106 = arith.constant 0 : i32
    %dma_wait3A_107 = arith.constant 0 : i32
    %dma_wait3A_108 = tpu.memref_slice %arg6[%dma_wait3A_104, %dma_wait3A_105, %dma_wait3A_106, %dma_wait3A_107] : memref<2x5x128x64xf32, #tpu.memory_space<vmem>> -> memref<1x1x128x64xf32, #tpu.memory_space<vmem>>
    %dma_wait3A_109 = tpu.memref_squeeze %dma_wait3A_108 : memref<1x1x128x64xf32, #tpu.memory_space<vmem>> -> memref<128x64xf32, #tpu.memory_space<vmem>>
    %dma_wait3A_110 = arith.constant 0 : i32
    %dma_wait3A_111 = tpu.memref_slice %arg5[%dma_wait3A_103, %dma_wait3A_110] : memref<200x128xi32, #tpu.memory_space<vmem>> -> memref<1x128xi32, #tpu.memory_space<vmem>>
    %dma_wait3A_112 = tpu.memref_squeeze %dma_wait3A_111 : memref<1x128xi32, #tpu.memory_space<vmem>> -> memref<128xi32, #tpu.memory_space<vmem>>
    %dma_wait3A_113 = arith.constant 0 : i32
    %dma_wait3A_114 = arith.constant 0 : i32
    %dma_wait3A_115 = tpu.memref_slice %arg3[%dma_wait3A_113, %dma_wait3A_114] : memref<1000000x64xf32, #tpu.memory_space<hbm>> -> memref<1000000x64xf32, #tpu.memory_space<hbm>>
    tpu.wait_indirect_dma semaphore(%arg7 : memref<!tpu.dma_semaphore, #tpu.memory_space<semaphore_mem>>) src(%dma_wait3A_115 : memref<1000000x64xf32, #tpu.memory_space<hbm>>) dst(%dma_wait3A_109 : memref<128x64xf32, #tpu.memory_space<vmem>>)
    %dma_wait3A_116 = arith.constant 4 : i32
    %dma_wait3A_117 = arith.constant 0 : i32
    %dma_wait3A_118 = arith.constant 4 : i32
    %dma_wait3A_119 = arith.constant 0 : i32
    %dma_wait3A_120 = arith.constant 0 : i32
    %dma_wait3A_121 = tpu.memref_slice %arg6[%dma_wait3A_117, %dma_wait3A_118, %dma_wait3A_119, %dma_wait3A_120] : memref<2x5x128x64xf32, #tpu.memory_space<vmem>> -> memref<1x1x128x64xf32, #tpu.memory_space<vmem>>
    %dma_wait3A_122 = tpu.memref_squeeze %dma_wait3A_121 : memref<1x1x128x64xf32, #tpu.memory_space<vmem>> -> memref<128x64xf32, #tpu.memory_space<vmem>>
    %dma_wait3A_123 = arith.constant 0 : i32
    %dma_wait3A_124 = tpu.memref_slice %arg5[%dma_wait3A_116, %dma_wait3A_123] : memref<200x128xi32, #tpu.memory_space<vmem>> -> memref<1x128xi32, #tpu.memory_space<vmem>>
    %dma_wait3A_125 = tpu.memref_squeeze %dma_wait3A_124 : memref<1x128xi32, #tpu.memory_space<vmem>> -> memref<128xi32, #tpu.memory_space<vmem>>
    %dma_wait3A_126 = arith.constant 0 : i32
    %dma_wait3A_127 = arith.constant 0 : i32
    %dma_wait3A_128 = tpu.memref_slice %arg3[%dma_wait3A_126, %dma_wait3A_127] : memref<1000000x64xf32, #tpu.memory_space<hbm>> -> memref<1000000x64xf32, #tpu.memory_space<hbm>>
    tpu.wait_indirect_dma semaphore(%arg7 : memref<!tpu.dma_semaphore, #tpu.memory_space<semaphore_mem>>) src(%dma_wait3A_128 : memref<1000000x64xf32, #tpu.memory_space<hbm>>) dst(%dma_wait3A_122 : memref<128x64xf32, #tpu.memory_space<vmem>>)
    %mul3A_129 = arith.constant 200 : i32
    %mul3A_130 = arith.muli %add3A, %mul3A_129 : i32
    %add3A_131 = arith.constant 0 : i32
    %add3A_132 = arith.addi %mul3A_130, %add3A_131 : i32
    %add3A_133 = arith.constant 0 : i32
    %add3A_134 = arith.addi %add3A_132, %add3A_133 : i32
    %mul3A_135 = arith.constant 128 : i32
    %mul3A_136 = arith.muli %add3A_134, %mul3A_135 : i32
    %dma_start3A_137 = arith.constant 0 : i32
    %dma_start3A_138 = arith.constant 0 : i32
    %dma_start3A_139 = arith.constant 0 : i32
    %dma_start3A_140 = arith.constant 0 : i32
    %dma_start3A_141 = tpu.memref_slice %arg6[%dma_start3A_137, %dma_start3A_138, %dma_start3A_139, %dma_start3A_140] : memref<2x5x128x64xf32, #tpu.memory_space<vmem>> -> memref<1x1x128x64xf32, #tpu.memory_space<vmem>>
    %dma_start3A_142 = tpu.memref_squeeze %dma_start3A_141 : memref<1x1x128x64xf32, #tpu.memory_space<vmem>> -> memref<128x64xf32, #tpu.memory_space<vmem>>
    %dma_start3A_143 = arith.constant 0 : i32
    %dma_start3A_144 = tpu.memref_slice %arg4[%mul3A_136, %dma_start3A_143] : memref<819200x64xf32, #tpu.memory_space<hbm>> -> memref<128x64xf32, #tpu.memory_space<hbm>>
    %dma_start3A_145 = arith.constant 0 : i32
    %dma_start3A_146 = tpu.memref_slice %arg4[%mul3A_136, %dma_start3A_145] : memref<819200x64xf32, #tpu.memory_space<hbm>> -> memref<128x64xf32, #tpu.memory_space<hbm>>
    %dma_start3A_147 = arith.constant 0 : i32
    %dma_start3A_148 = arith.constant 0 : i32
    %dma_start3A_149 = tpu.memref_slice %arg6[%dma_start3A_137, %dma_start3A_138, %dma_start3A_147, %dma_start3A_148] : memref<2x5x128x64xf32, #tpu.memory_space<vmem>> -> memref<1x1x128x64xf32, #tpu.memory_space<vmem>>
    %dma_start3A_150 = tpu.memref_squeeze %dma_start3A_149 : memref<1x1x128x64xf32, #tpu.memory_space<vmem>> -> memref<128x64xf32, #tpu.memory_space<vmem>>
    tpu.enqueue_dma source(%dma_start3A_150 : memref<128x64xf32, #tpu.memory_space<vmem>>) target(%dma_start3A_146 : memref<128x64xf32, #tpu.memory_space<hbm>>) target_semaphore(%arg9 : memref<!tpu.dma_semaphore, #tpu.memory_space<semaphore_mem>>)
    %mul3A_151 = arith.constant 200 : i32
    %mul3A_152 = arith.muli %add3A, %mul3A_151 : i32
    %add3A_153 = arith.constant 0 : i32
    %add3A_154 = arith.addi %mul3A_152, %add3A_153 : i32
    %add3A_155 = arith.constant 1 : i32
    %add3A_156 = arith.addi %add3A_154, %add3A_155 : i32
    %mul3A_157 = arith.constant 128 : i32
    %mul3A_158 = arith.muli %add3A_156, %mul3A_157 : i32
    %dma_start3A_159 = arith.constant 0 : i32
    %dma_start3A_160 = arith.constant 1 : i32
    %dma_start3A_161 = arith.constant 0 : i32
    %dma_start3A_162 = arith.constant 0 : i32
    %dma_start3A_163 = tpu.memref_slice %arg6[%dma_start3A_159, %dma_start3A_160, %dma_start3A_161, %dma_start3A_162] : memref<2x5x128x64xf32, #tpu.memory_space<vmem>> -> memref<1x1x128x64xf32, #tpu.memory_space<vmem>>
    %dma_start3A_164 = tpu.memref_squeeze %dma_start3A_163 : memref<1x1x128x64xf32, #tpu.memory_space<vmem>> -> memref<128x64xf32, #tpu.memory_space<vmem>>
    %dma_start3A_165 = arith.constant 0 : i32
    %dma_start3A_166 = tpu.memref_slice %arg4[%mul3A_158, %dma_start3A_165] : memref<819200x64xf32, #tpu.memory_space<hbm>> -> memref<128x64xf32, #tpu.memory_space<hbm>>
    %dma_start3A_167 = arith.constant 0 : i32
    %dma_start3A_168 = tpu.memref_slice %arg4[%mul3A_158, %dma_start3A_167] : memref<819200x64xf32, #tpu.memory_space<hbm>> -> memref<128x64xf32, #tpu.memory_space<hbm>>
    %dma_start3A_169 = arith.constant 0 : i32
    %dma_start3A_170 = arith.constant 0 : i32
    %dma_start3A_171 = tpu.memref_slice %arg6[%dma_start3A_159, %dma_start3A_160, %dma_start3A_169, %dma_start3A_170] : memref<2x5x128x64xf32, #tpu.memory_space<vmem>> -> memref<1x1x128x64xf32, #tpu.memory_space<vmem>>
    %dma_start3A_172 = tpu.memref_squeeze %dma_start3A_171 : memref<1x1x128x64xf32, #tpu.memory_space<vmem>> -> memref<128x64xf32, #tpu.memory_space<vmem>>
    tpu.enqueue_dma source(%dma_start3A_172 : memref<128x64xf32, #tpu.memory_space<vmem>>) target(%dma_start3A_168 : memref<128x64xf32, #tpu.memory_space<hbm>>) target_semaphore(%arg9 : memref<!tpu.dma_semaphore, #tpu.memory_space<semaphore_mem>>)
    %mul3A_173 = arith.constant 200 : i32
    %mul3A_174 = arith.muli %add3A, %mul3A_173 : i32
    %add3A_175 = arith.constant 0 : i32
    %add3A_176 = arith.addi %mul3A_174, %add3A_175 : i32
    %add3A_177 = arith.constant 2 : i32
    %add3A_178 = arith.addi %add3A_176, %add3A_177 : i32
    %mul3A_179 = arith.constant 128 : i32
    %mul3A_180 = arith.muli %add3A_178, %mul3A_179 : i32
    %dma_start3A_181 = arith.constant 0 : i32
    %dma_start3A_182 = arith.constant 2 : i32
    %dma_start3A_183 = arith.constant 0 : i32
    %dma_start3A_184 = arith.constant 0 : i32
    %dma_start3A_185 = tpu.memref_slice %arg6[%dma_start3A_181, %dma_start3A_182, %dma_start3A_183, %dma_start3A_184] : memref<2x5x128x64xf32, #tpu.memory_space<vmem>> -> memref<1x1x128x64xf32, #tpu.memory_space<vmem>>
    %dma_start3A_186 = tpu.memref_squeeze %dma_start3A_185 : memref<1x1x128x64xf32, #tpu.memory_space<vmem>> -> memref<128x64xf32, #tpu.memory_space<vmem>>
    %dma_start3A_187 = arith.constant 0 : i32
    %dma_start3A_188 = tpu.memref_slice %arg4[%mul3A_180, %dma_start3A_187] : memref<819200x64xf32, #tpu.memory_space<hbm>> -> memref<128x64xf32, #tpu.memory_space<hbm>>
    %dma_start3A_189 = arith.constant 0 : i32
    %dma_start3A_190 = tpu.memref_slice %arg4[%mul3A_180, %dma_start3A_189] : memref<819200x64xf32, #tpu.memory_space<hbm>> -> memref<128x64xf32, #tpu.memory_space<hbm>>
    %dma_start3A_191 = arith.constant 0 : i32
    %dma_start3A_192 = arith.constant 0 : i32
    %dma_start3A_193 = tpu.memref_slice %arg6[%dma_start3A_181, %dma_start3A_182, %dma_start3A_191, %dma_start3A_192] : memref<2x5x128x64xf32, #tpu.memory_space<vmem>> -> memref<1x1x128x64xf32, #tpu.memory_space<vmem>>
    %dma_start3A_194 = tpu.memref_squeeze %dma_start3A_193 : memref<1x1x128x64xf32, #tpu.memory_space<vmem>> -> memref<128x64xf32, #tpu.memory_space<vmem>>
    tpu.enqueue_dma source(%dma_start3A_194 : memref<128x64xf32, #tpu.memory_space<vmem>>) target(%dma_start3A_190 : memref<128x64xf32, #tpu.memory_space<hbm>>) target_semaphore(%arg9 : memref<!tpu.dma_semaphore, #tpu.memory_space<semaphore_mem>>)
    %mul3A_195 = arith.constant 200 : i32
    %mul3A_196 = arith.muli %add3A, %mul3A_195 : i32
    %add3A_197 = arith.constant 0 : i32
    %add3A_198 = arith.addi %mul3A_196, %add3A_197 : i32
    %add3A_199 = arith.constant 3 : i32
    %add3A_200 = arith.addi %add3A_198, %add3A_199 : i32
    %mul3A_201 = arith.constant 128 : i32
    %mul3A_202 = arith.muli %add3A_200, %mul3A_201 : i32
    %dma_start3A_203 = arith.constant 0 : i32
    %dma_start3A_204 = arith.constant 3 : i32
    %dma_start3A_205 = arith.constant 0 : i32
    %dma_start3A_206 = arith.constant 0 : i32
    %dma_start3A_207 = tpu.memref_slice %arg6[%dma_start3A_203, %dma_start3A_204, %dma_start3A_205, %dma_start3A_206] : memref<2x5x128x64xf32, #tpu.memory_space<vmem>> -> memref<1x1x128x64xf32, #tpu.memory_space<vmem>>
    %dma_start3A_208 = tpu.memref_squeeze %dma_start3A_207 : memref<1x1x128x64xf32, #tpu.memory_space<vmem>> -> memref<128x64xf32, #tpu.memory_space<vmem>>
    %dma_start3A_209 = arith.constant 0 : i32
    %dma_start3A_210 = tpu.memref_slice %arg4[%mul3A_202, %dma_start3A_209] : memref<819200x64xf32, #tpu.memory_space<hbm>> -> memref<128x64xf32, #tpu.memory_space<hbm>>
    %dma_start3A_211 = arith.constant 0 : i32
    %dma_start3A_212 = tpu.memref_slice %arg4[%mul3A_202, %dma_start3A_211] : memref<819200x64xf32, #tpu.memory_space<hbm>> -> memref<128x64xf32, #tpu.memory_space<hbm>>
    %dma_start3A_213 = arith.constant 0 : i32
    %dma_start3A_214 = arith.constant 0 : i32
    %dma_start3A_215 = tpu.memref_slice %arg6[%dma_start3A_203, %dma_start3A_204, %dma_start3A_213, %dma_start3A_214] : memref<2x5x128x64xf32, #tpu.memory_space<vmem>> -> memref<1x1x128x64xf32, #tpu.memory_space<vmem>>
    %dma_start3A_216 = tpu.memref_squeeze %dma_start3A_215 : memref<1x1x128x64xf32, #tpu.memory_space<vmem>> -> memref<128x64xf32, #tpu.memory_space<vmem>>
    tpu.enqueue_dma source(%dma_start3A_216 : memref<128x64xf32, #tpu.memory_space<vmem>>) target(%dma_start3A_212 : memref<128x64xf32, #tpu.memory_space<hbm>>) target_semaphore(%arg9 : memref<!tpu.dma_semaphore, #tpu.memory_space<semaphore_mem>>)
    %mul3A_217 = arith.constant 200 : i32
    %mul3A_218 = arith.muli %add3A, %mul3A_217 : i32
    %add3A_219 = arith.constant 0 : i32
    %add3A_220 = arith.addi %mul3A_218, %add3A_219 : i32
    %add3A_221 = arith.constant 4 : i32
    %add3A_222 = arith.addi %add3A_220, %add3A_221 : i32
    %mul3A_223 = arith.constant 128 : i32
    %mul3A_224 = arith.muli %add3A_222, %mul3A_223 : i32
    %dma_start3A_225 = arith.constant 0 : i32
    %dma_start3A_226 = arith.constant 4 : i32
    %dma_start3A_227 = arith.constant 0 : i32
    %dma_start3A_228 = arith.constant 0 : i32
    %dma_start3A_229 = tpu.memref_slice %arg6[%dma_start3A_225, %dma_start3A_226, %dma_start3A_227, %dma_start3A_228] : memref<2x5x128x64xf32, #tpu.memory_space<vmem>> -> memref<1x1x128x64xf32, #tpu.memory_space<vmem>>
    %dma_start3A_230 = tpu.memref_squeeze %dma_start3A_229 : memref<1x1x128x64xf32, #tpu.memory_space<vmem>> -> memref<128x64xf32, #tpu.memory_space<vmem>>
    %dma_start3A_231 = arith.constant 0 : i32
    %dma_start3A_232 = tpu.memref_slice %arg4[%mul3A_224, %dma_start3A_231] : memref<819200x64xf32, #tpu.memory_space<hbm>> -> memref<128x64xf32, #tpu.memory_space<hbm>>
    %dma_start3A_233 = arith.constant 0 : i32
    %dma_start3A_234 = tpu.memref_slice %arg4[%mul3A_224, %dma_start3A_233] : memref<819200x64xf32, #tpu.memory_space<hbm>> -> memref<128x64xf32, #tpu.memory_space<hbm>>
    %dma_start3A_235 = arith.constant 0 : i32
    %dma_start3A_236 = arith.constant 0 : i32
    %dma_start3A_237 = tpu.memref_slice %arg6[%dma_start3A_225, %dma_start3A_226, %dma_start3A_235, %dma_start3A_236] : memref<2x5x128x64xf32, #tpu.memory_space<vmem>> -> memref<1x1x128x64xf32, #tpu.memory_space<vmem>>
    %dma_start3A_238 = tpu.memref_squeeze %dma_start3A_237 : memref<1x1x128x64xf32, #tpu.memory_space<vmem>> -> memref<128x64xf32, #tpu.memory_space<vmem>>
    tpu.enqueue_dma source(%dma_start3A_238 : memref<128x64xf32, #tpu.memory_space<vmem>>) target(%dma_start3A_234 : memref<128x64xf32, #tpu.memory_space<hbm>>) target_semaphore(%arg9 : memref<!tpu.dma_semaphore, #tpu.memory_space<semaphore_mem>>)
    %dma_start3A_239 = arith.constant 5 : i32
    %dma_start3A_240 = arith.constant 1 : i32
    %dma_start3A_241 = arith.constant 0 : i32
    %dma_start3A_242 = arith.constant 0 : i32
    %dma_start3A_243 = arith.constant 0 : i32
    %dma_start3A_244 = tpu.memref_slice %arg6[%dma_start3A_240, %dma_start3A_241, %dma_start3A_242, %dma_start3A_243] : memref<2x5x128x64xf32, #tpu.memory_space<vmem>> -> memref<1x1x128x64xf32, #tpu.memory_space<vmem>>
    %dma_start3A_245 = tpu.memref_squeeze %dma_start3A_244 : memref<1x1x128x64xf32, #tpu.memory_space<vmem>> -> memref<128x64xf32, #tpu.memory_space<vmem>>
    %dma_start3A_246 = arith.constant 0 : i32
    %dma_start3A_247 = tpu.memref_slice %arg5[%dma_start3A_239, %dma_start3A_246] : memref<200x128xi32, #tpu.memory_space<vmem>> -> memref<1x128xi32, #tpu.memory_space<vmem>>
    %dma_start3A_248 = tpu.memref_squeeze %dma_start3A_247 : memref<1x128xi32, #tpu.memory_space<vmem>> -> memref<128xi32, #tpu.memory_space<vmem>>
    %dma_start3A_249 = arith.constant 0 : i32
    %dma_start3A_250 = arith.constant 0 : i32
    %dma_start3A_251 = tpu.memref_slice %arg3[%dma_start3A_249, %dma_start3A_250] : memref<1000000x64xf32, #tpu.memory_space<hbm>> -> memref<1000000x64xf32, #tpu.memory_space<hbm>>
    tpu.enqueue_indirect_dma source(%dma_start3A_251 : memref<1000000x64xf32, #tpu.memory_space<hbm>>) target(%dma_start3A_245 : memref<128x64xf32, #tpu.memory_space<vmem>>) offsets(%dma_start3A_248 : memref<128xi32, #tpu.memory_space<vmem>>) semaphore(%arg8 : memref<!tpu.dma_semaphore, #tpu.memory_space<semaphore_mem>>)
    %dma_start3A_252 = arith.constant 6 : i32
    %dma_start3A_253 = arith.constant 1 : i32
    %dma_start3A_254 = arith.constant 1 : i32
    %dma_start3A_255 = arith.constant 0 : i32
    %dma_start3A_256 = arith.constant 0 : i32
    %dma_start3A_257 = tpu.memref_slice %arg6[%dma_start3A_253, %dma_start3A_254, %dma_start3A_255, %dma_start3A_256] : memref<2x5x128x64xf32, #tpu.memory_space<vmem>> -> memref<1x1x128x64xf32, #tpu.memory_space<vmem>>
    %dma_start3A_258 = tpu.memref_squeeze %dma_start3A_257 : memref<1x1x128x64xf32, #tpu.memory_space<vmem>> -> memref<128x64xf32, #tpu.memory_space<vmem>>
    %dma_start3A_259 = arith.constant 0 : i32
    %dma_start3A_260 = tpu.memref_slice %arg5[%dma_start3A_252, %dma_start3A_259] : memref<200x128xi32, #tpu.memory_space<vmem>> -> memref<1x128xi32, #tpu.memory_space<vmem>>
    %dma_start3A_261 = tpu.memref_squeeze %dma_start3A_260 : memref<1x128xi32, #tpu.memory_space<vmem>> -> memref<128xi32, #tpu.memory_space<vmem>>
    %dma_start3A_262 = arith.constant 0 : i32
    %dma_start3A_263 = arith.constant 0 : i32
    %dma_start3A_264 = tpu.memref_slice %arg3[%dma_start3A_262, %dma_start3A_263] : memref<1000000x64xf32, #tpu.memory_space<hbm>> -> memref<1000000x64xf32, #tpu.memory_space<hbm>>
    tpu.enqueue_indirect_dma source(%dma_start3A_264 : memref<1000000x64xf32, #tpu.memory_space<hbm>>) target(%dma_start3A_258 : memref<128x64xf32, #tpu.memory_space<vmem>>) offsets(%dma_start3A_261 : memref<128xi32, #tpu.memory_space<vmem>>) semaphore(%arg8 : memref<!tpu.dma_semaphore, #tpu.memory_space<semaphore_mem>>)
    %dma_start3A_265 = arith.constant 7 : i32
    %dma_start3A_266 = arith.constant 1 : i32
    %dma_start3A_267 = arith.constant 2 : i32
    %dma_start3A_268 = arith.constant 0 : i32
    %dma_start3A_269 = arith.constant 0 : i32
    %dma_start3A_270 = tpu.memref_slice %arg6[%dma_start3A_266, %dma_start3A_267, %dma_start3A_268, %dma_start3A_269] : memref<2x5x128x64xf32, #tpu.memory_space<vmem>> -> memref<1x1x128x64xf32, #tpu.memory_space<vmem>>
    %dma_start3A_271 = tpu.memref_squeeze %dma_start3A_270 : memref<1x1x128x64xf32, #tpu.memory_space<vmem>> -> memref<128x64xf32, #tpu.memory_space<vmem>>
    %dma_start3A_272 = arith.constant 0 : i32
    %dma_start3A_273 = tpu.memref_slice %arg5[%dma_start3A_265, %dma_start3A_272] : memref<200x128xi32, #tpu.memory_space<vmem>> -> memref<1x128xi32, #tpu.memory_space<vmem>>
    %dma_start3A_274 = tpu.memref_squeeze %dma_start3A_273 : memref<1x128xi32, #tpu.memory_space<vmem>> -> memref<128xi32, #tpu.memory_space<vmem>>
    %dma_start3A_275 = arith.constant 0 : i32
    %dma_start3A_276 = arith.constant 0 : i32
    %dma_start3A_277 = tpu.memref_slice %arg3[%dma_start3A_275, %dma_start3A_276] : memref<1000000x64xf32, #tpu.memory_space<hbm>> -> memref<1000000x64xf32, #tpu.memory_space<hbm>>
    tpu.enqueue_indirect_dma source(%dma_start3A_277 : memref<1000000x64xf32, #tpu.memory_space<hbm>>) target(%dma_start3A_271 : memref<128x64xf32, #tpu.memory_space<vmem>>) offsets(%dma_start3A_274 : memref<128xi32, #tpu.memory_space<vmem>>) semaphore(%arg8 : memref<!tpu.dma_semaphore, #tpu.memory_space<semaphore_mem>>)
    %dma_start3A_278 = arith.constant 8 : i32
    %dma_start3A_279 = arith.constant 1 : i32
    %dma_start3A_280 = arith.constant 3 : i32
    %dma_start3A_281 = arith.constant 0 : i32
    %dma_start3A_282 = arith.constant 0 : i32
    %dma_start3A_283 = tpu.memref_slice %arg6[%dma_start3A_279, %dma_start3A_280, %dma_start3A_281, %dma_start3A_282] : memref<2x5x128x64xf32, #tpu.memory_space<vmem>> -> memref<1x1x128x64xf32, #tpu.memory_space<vmem>>
    %dma_start3A_284 = tpu.memref_squeeze %dma_start3A_283 : memref<1x1x128x64xf32, #tpu.memory_space<vmem>> -> memref<128x64xf32, #tpu.memory_space<vmem>>
    %dma_start3A_285 = arith.constant 0 : i32
    %dma_start3A_286 = tpu.memref_slice %arg5[%dma_start3A_278, %dma_start3A_285] : memref<200x128xi32, #tpu.memory_space<vmem>> -> memref<1x128xi32, #tpu.memory_space<vmem>>
    %dma_start3A_287 = tpu.memref_squeeze %dma_start3A_286 : memref<1x128xi32, #tpu.memory_space<vmem>> -> memref<128xi32, #tpu.memory_space<vmem>>
    %dma_start3A_288 = arith.constant 0 : i32
    %dma_start3A_289 = arith.constant 0 : i32
    %dma_start3A_290 = tpu.memref_slice %arg3[%dma_start3A_288, %dma_start3A_289] : memref<1000000x64xf32, #tpu.memory_space<hbm>> -> memref<1000000x64xf32, #tpu.memory_space<hbm>>
    tpu.enqueue_indirect_dma source(%dma_start3A_290 : memref<1000000x64xf32, #tpu.memory_space<hbm>>) target(%dma_start3A_284 : memref<128x64xf32, #tpu.memory_space<vmem>>) offsets(%dma_start3A_287 : memref<128xi32, #tpu.memory_space<vmem>>) semaphore(%arg8 : memref<!tpu.dma_semaphore, #tpu.memory_space<semaphore_mem>>)
    %dma_start3A_291 = arith.constant 9 : i32
    %dma_start3A_292 = arith.constant 1 : i32
    %dma_start3A_293 = arith.constant 4 : i32
    %dma_start3A_294 = arith.constant 0 : i32
    %dma_start3A_295 = arith.constant 0 : i32
    %dma_start3A_296 = tpu.memref_slice %arg6[%dma_start3A_292, %dma_start3A_293, %dma_start3A_294, %dma_start3A_295] : memref<2x5x128x64xf32, #tpu.memory_space<vmem>> -> memref<1x1x128x64xf32, #tpu.memory_space<vmem>>
    %dma_start3A_297 = tpu.memref_squeeze %dma_start3A_296 : memref<1x1x128x64xf32, #tpu.memory_space<vmem>> -> memref<128x64xf32, #tpu.memory_space<vmem>>
    %dma_start3A_298 = arith.constant 0 : i32
    %dma_start3A_299 = tpu.memref_slice %arg5[%dma_start3A_291, %dma_start3A_298] : memref<200x128xi32, #tpu.memory_space<vmem>> -> memref<1x128xi32, #tpu.memory_space<vmem>>
    %dma_start3A_300 = tpu.memref_squeeze %dma_start3A_299 : memref<1x128xi32, #tpu.memory_space<vmem>> -> memref<128xi32, #tpu.memory_space<vmem>>
    %dma_start3A_301 = arith.constant 0 : i32
    %dma_start3A_302 = arith.constant 0 : i32
    %dma_start3A_303 = tpu.memref_slice %arg3[%dma_start3A_301, %dma_start3A_302] : memref<1000000x64xf32, #tpu.memory_space<hbm>> -> memref<1000000x64xf32, #tpu.memory_space<hbm>>
    tpu.enqueue_indirect_dma source(%dma_start3A_303 : memref<1000000x64xf32, #tpu.memory_space<hbm>>) target(%dma_start3A_297 : memref<128x64xf32, #tpu.memory_space<vmem>>) offsets(%dma_start3A_300 : memref<128xi32, #tpu.memory_space<vmem>>) semaphore(%arg8 : memref<!tpu.dma_semaphore, #tpu.memory_space<semaphore_mem>>)
    %scan3A = arith.constant 0 : i32
    %scan3A_304 = arith.constant 0 : i32
    %scan3A_305 = arith.constant 19 : i32
    %scan3A_306 = arith.addi %scan3A_304, %scan3A_305 : i32
    %scan3A_307 = arith.constant 1 : i32
    scf.for %scan3A_704 = %scan3A_304 to %scan3A_306 step %scan3A_307  : i32 {
      %mul3A_705 = arith.constant 2 : i32
      %mul3A_706 = arith.muli %mul3A_705, %scan3A_704 : i32
      %add3A_707 = arith.constant 1 : i32
      %add3A_708 = arith.addi %mul3A_706, %add3A_707 : i32
      %add3A_709 = arith.constant 0 : i32
      %add3A_710 = arith.addi %add3A_708, %add3A_709 : i32
      %mul3A_711 = arith.constant 5 : i32
      %mul3A_712 = arith.muli %add3A_710, %mul3A_711 : i32
      %add3A_713 = arith.constant 0 : i32
      %add3A_714 = arith.addi %mul3A_712, %add3A_713 : i32
      %dma_wait3A_715 = arith.constant 1 : i32
      %dma_wait3A_716 = arith.constant 0 : i32
      %dma_wait3A_717 = arith.constant 0 : i32
      %dma_wait3A_718 = arith.constant 0 : i32
      %dma_wait3A_719 = tpu.memref_slice %arg6[%dma_wait3A_715, %dma_wait3A_716, %dma_wait3A_717, %dma_wait3A_718] : memref<2x5x128x64xf32, #tpu.memory_space<vmem>> -> memref<1x1x128x64xf32, #tpu.memory_space<vmem>>
      %dma_wait3A_720 = tpu.memref_squeeze %dma_wait3A_719 : memref<1x1x128x64xf32, #tpu.memory_space<vmem>> -> memref<128x64xf32, #tpu.memory_space<vmem>>
      %dma_wait3A_721 = arith.constant 0 : i32
      %dma_wait3A_722 = tpu.memref_slice %arg5[%add3A_714, %dma_wait3A_721] : memref<200x128xi32, #tpu.memory_space<vmem>> -> memref<1x128xi32, #tpu.memory_space<vmem>>
      %dma_wait3A_723 = tpu.memref_squeeze %dma_wait3A_722 : memref<1x128xi32, #tpu.memory_space<vmem>> -> memref<128xi32, #tpu.memory_space<vmem>>
      %dma_wait3A_724 = arith.constant 0 : i32
      %dma_wait3A_725 = arith.constant 0 : i32
      %dma_wait3A_726 = tpu.memref_slice %arg3[%dma_wait3A_724, %dma_wait3A_725] : memref<1000000x64xf32, #tpu.memory_space<hbm>> -> memref<1000000x64xf32, #tpu.memory_space<hbm>>
      tpu.wait_indirect_dma semaphore(%arg8 : memref<!tpu.dma_semaphore, #tpu.memory_space<semaphore_mem>>) src(%dma_wait3A_726 : memref<1000000x64xf32, #tpu.memory_space<hbm>>) dst(%dma_wait3A_720 : memref<128x64xf32, #tpu.memory_space<vmem>>)
      %mul3A_727 = arith.constant 5 : i32
      %mul3A_728 = arith.muli %add3A_710, %mul3A_727 : i32
      %add3A_729 = arith.constant 1 : i32
      %add3A_730 = arith.addi %mul3A_728, %add3A_729 : i32
      %dma_wait3A_731 = arith.constant 1 : i32
      %dma_wait3A_732 = arith.constant 1 : i32
      %dma_wait3A_733 = arith.constant 0 : i32
      %dma_wait3A_734 = arith.constant 0 : i32
      %dma_wait3A_735 = tpu.memref_slice %arg6[%dma_wait3A_731, %dma_wait3A_732, %dma_wait3A_733, %dma_wait3A_734] : memref<2x5x128x64xf32, #tpu.memory_space<vmem>> -> memref<1x1x128x64xf32, #tpu.memory_space<vmem>>
      %dma_wait3A_736 = tpu.memref_squeeze %dma_wait3A_735 : memref<1x1x128x64xf32, #tpu.memory_space<vmem>> -> memref<128x64xf32, #tpu.memory_space<vmem>>
      %dma_wait3A_737 = arith.constant 0 : i32
      %dma_wait3A_738 = tpu.memref_slice %arg5[%add3A_730, %dma_wait3A_737] : memref<200x128xi32, #tpu.memory_space<vmem>> -> memref<1x128xi32, #tpu.memory_space<vmem>>
      %dma_wait3A_739 = tpu.memref_squeeze %dma_wait3A_738 : memref<1x128xi32, #tpu.memory_space<vmem>> -> memref<128xi32, #tpu.memory_space<vmem>>
      %dma_wait3A_740 = arith.constant 0 : i32
      %dma_wait3A_741 = arith.constant 0 : i32
      %dma_wait3A_742 = tpu.memref_slice %arg3[%dma_wait3A_740, %dma_wait3A_741] : memref<1000000x64xf32, #tpu.memory_space<hbm>> -> memref<1000000x64xf32, #tpu.memory_space<hbm>>
      tpu.wait_indirect_dma semaphore(%arg8 : memref<!tpu.dma_semaphore, #tpu.memory_space<semaphore_mem>>) src(%dma_wait3A_742 : memref<1000000x64xf32, #tpu.memory_space<hbm>>) dst(%dma_wait3A_736 : memref<128x64xf32, #tpu.memory_space<vmem>>)
      %mul3A_743 = arith.constant 5 : i32
      %mul3A_744 = arith.muli %add3A_710, %mul3A_743 : i32
      %add3A_745 = arith.constant 2 : i32
      %add3A_746 = arith.addi %mul3A_744, %add3A_745 : i32
      %dma_wait3A_747 = arith.constant 1 : i32
      %dma_wait3A_748 = arith.constant 2 : i32
      %dma_wait3A_749 = arith.constant 0 : i32
      %dma_wait3A_750 = arith.constant 0 : i32
      %dma_wait3A_751 = tpu.memref_slice %arg6[%dma_wait3A_747, %dma_wait3A_748, %dma_wait3A_749, %dma_wait3A_750] : memref<2x5x128x64xf32, #tpu.memory_space<vmem>> -> memref<1x1x128x64xf32, #tpu.memory_space<vmem>>
      %dma_wait3A_752 = tpu.memref_squeeze %dma_wait3A_751 : memref<1x1x128x64xf32, #tpu.memory_space<vmem>> -> memref<128x64xf32, #tpu.memory_space<vmem>>
      %dma_wait3A_753 = arith.constant 0 : i32
      %dma_wait3A_754 = tpu.memref_slice %arg5[%add3A_746, %dma_wait3A_753] : memref<200x128xi32, #tpu.memory_space<vmem>> -> memref<1x128xi32, #tpu.memory_space<vmem>>
      %dma_wait3A_755 = tpu.memref_squeeze %dma_wait3A_754 : memref<1x128xi32, #tpu.memory_space<vmem>> -> memref<128xi32, #tpu.memory_space<vmem>>
      %dma_wait3A_756 = arith.constant 0 : i32
      %dma_wait3A_757 = arith.constant 0 : i32
      %dma_wait3A_758 = tpu.memref_slice %arg3[%dma_wait3A_756, %dma_wait3A_757] : memref<1000000x64xf32, #tpu.memory_space<hbm>> -> memref<1000000x64xf32, #tpu.memory_space<hbm>>
      tpu.wait_indirect_dma semaphore(%arg8 : memref<!tpu.dma_semaphore, #tpu.memory_space<semaphore_mem>>) src(%dma_wait3A_758 : memref<1000000x64xf32, #tpu.memory_space<hbm>>) dst(%dma_wait3A_752 : memref<128x64xf32, #tpu.memory_space<vmem>>)
      %mul3A_759 = arith.constant 5 : i32
      %mul3A_760 = arith.muli %add3A_710, %mul3A_759 : i32
      %add3A_761 = arith.constant 3 : i32
      %add3A_762 = arith.addi %mul3A_760, %add3A_761 : i32
      %dma_wait3A_763 = arith.constant 1 : i32
      %dma_wait3A_764 = arith.constant 3 : i32
      %dma_wait3A_765 = arith.constant 0 : i32
      %dma_wait3A_766 = arith.constant 0 : i32
      %dma_wait3A_767 = tpu.memref_slice %arg6[%dma_wait3A_763, %dma_wait3A_764, %dma_wait3A_765, %dma_wait3A_766] : memref<2x5x128x64xf32, #tpu.memory_space<vmem>> -> memref<1x1x128x64xf32, #tpu.memory_space<vmem>>
      %dma_wait3A_768 = tpu.memref_squeeze %dma_wait3A_767 : memref<1x1x128x64xf32, #tpu.memory_space<vmem>> -> memref<128x64xf32, #tpu.memory_space<vmem>>
      %dma_wait3A_769 = arith.constant 0 : i32
      %dma_wait3A_770 = tpu.memref_slice %arg5[%add3A_762, %dma_wait3A_769] : memref<200x128xi32, #tpu.memory_space<vmem>> -> memref<1x128xi32, #tpu.memory_space<vmem>>
      %dma_wait3A_771 = tpu.memref_squeeze %dma_wait3A_770 : memref<1x128xi32, #tpu.memory_space<vmem>> -> memref<128xi32, #tpu.memory_space<vmem>>
      %dma_wait3A_772 = arith.constant 0 : i32
      %dma_wait3A_773 = arith.constant 0 : i32
      %dma_wait3A_774 = tpu.memref_slice %arg3[%dma_wait3A_772, %dma_wait3A_773] : memref<1000000x64xf32, #tpu.memory_space<hbm>> -> memref<1000000x64xf32, #tpu.memory_space<hbm>>
      tpu.wait_indirect_dma semaphore(%arg8 : memref<!tpu.dma_semaphore, #tpu.memory_space<semaphore_mem>>) src(%dma_wait3A_774 : memref<1000000x64xf32, #tpu.memory_space<hbm>>) dst(%dma_wait3A_768 : memref<128x64xf32, #tpu.memory_space<vmem>>)
      %mul3A_775 = arith.constant 5 : i32
      %mul3A_776 = arith.muli %add3A_710, %mul3A_775 : i32
      %add3A_777 = arith.constant 4 : i32
      %add3A_778 = arith.addi %mul3A_776, %add3A_777 : i32
      %dma_wait3A_779 = arith.constant 1 : i32
      %dma_wait3A_780 = arith.constant 4 : i32
      %dma_wait3A_781 = arith.constant 0 : i32
      %dma_wait3A_782 = arith.constant 0 : i32
      %dma_wait3A_783 = tpu.memref_slice %arg6[%dma_wait3A_779, %dma_wait3A_780, %dma_wait3A_781, %dma_wait3A_782] : memref<2x5x128x64xf32, #tpu.memory_space<vmem>> -> memref<1x1x128x64xf32, #tpu.memory_space<vmem>>
      %dma_wait3A_784 = tpu.memref_squeeze %dma_wait3A_783 : memref<1x1x128x64xf32, #tpu.memory_space<vmem>> -> memref<128x64xf32, #tpu.memory_space<vmem>>
      %dma_wait3A_785 = arith.constant 0 : i32
      %dma_wait3A_786 = tpu.memref_slice %arg5[%add3A_778, %dma_wait3A_785] : memref<200x128xi32, #tpu.memory_space<vmem>> -> memref<1x128xi32, #tpu.memory_space<vmem>>
      %dma_wait3A_787 = tpu.memref_squeeze %dma_wait3A_786 : memref<1x128xi32, #tpu.memory_space<vmem>> -> memref<128xi32, #tpu.memory_space<vmem>>
      %dma_wait3A_788 = arith.constant 0 : i32
      %dma_wait3A_789 = arith.constant 0 : i32
      %dma_wait3A_790 = tpu.memref_slice %arg3[%dma_wait3A_788, %dma_wait3A_789] : memref<1000000x64xf32, #tpu.memory_space<hbm>> -> memref<1000000x64xf32, #tpu.memory_space<hbm>>
      tpu.wait_indirect_dma semaphore(%arg8 : memref<!tpu.dma_semaphore, #tpu.memory_space<semaphore_mem>>) src(%dma_wait3A_790 : memref<1000000x64xf32, #tpu.memory_space<hbm>>) dst(%dma_wait3A_784 : memref<128x64xf32, #tpu.memory_space<vmem>>)
      %mul3A_791 = arith.constant 200 : i32
      %mul3A_792 = arith.muli %add3A, %mul3A_791 : i32
      %mul3A_793 = arith.constant 5 : i32
      %mul3A_794 = arith.muli %add3A_710, %mul3A_793 : i32
      %add3A_795 = arith.addi %mul3A_792, %mul3A_794 : i32
      %add3A_796 = arith.constant 0 : i32
      %add3A_797 = arith.addi %add3A_795, %add3A_796 : i32
      %mul3A_798 = arith.constant 128 : i32
      %mul3A_799 = arith.muli %add3A_797, %mul3A_798 : i32
      %dma_start3A_800 = arith.constant 1 : i32
      %dma_start3A_801 = arith.constant 0 : i32
      %dma_start3A_802 = arith.constant 0 : i32
      %dma_start3A_803 = arith.constant 0 : i32
      %dma_start3A_804 = tpu.memref_slice %arg6[%dma_start3A_800, %dma_start3A_801, %dma_start3A_802, %dma_start3A_803] : memref<2x5x128x64xf32, #tpu.memory_space<vmem>> -> memref<1x1x128x64xf32, #tpu.memory_space<vmem>>
      %dma_start3A_805 = tpu.memref_squeeze %dma_start3A_804 : memref<1x1x128x64xf32, #tpu.memory_space<vmem>> -> memref<128x64xf32, #tpu.memory_space<vmem>>
      %dma_start3A_806 = arith.constant 0 : i32
      %dma_start3A_807 = tpu.memref_slice %arg4[%mul3A_799, %dma_start3A_806] : memref<819200x64xf32, #tpu.memory_space<hbm>> -> memref<128x64xf32, #tpu.memory_space<hbm>>
      %dma_start3A_808 = arith.constant 0 : i32
      %dma_start3A_809 = tpu.memref_slice %arg4[%mul3A_799, %dma_start3A_808] : memref<819200x64xf32, #tpu.memory_space<hbm>> -> memref<128x64xf32, #tpu.memory_space<hbm>>
      %dma_start3A_810 = arith.constant 0 : i32
      %dma_start3A_811 = arith.constant 0 : i32
      %dma_start3A_812 = tpu.memref_slice %arg6[%dma_start3A_800, %dma_start3A_801, %dma_start3A_810, %dma_start3A_811] : memref<2x5x128x64xf32, #tpu.memory_space<vmem>> -> memref<1x1x128x64xf32, #tpu.memory_space<vmem>>
      %dma_start3A_813 = tpu.memref_squeeze %dma_start3A_812 : memref<1x1x128x64xf32, #tpu.memory_space<vmem>> -> memref<128x64xf32, #tpu.memory_space<vmem>>
      tpu.enqueue_dma source(%dma_start3A_813 : memref<128x64xf32, #tpu.memory_space<vmem>>) target(%dma_start3A_809 : memref<128x64xf32, #tpu.memory_space<hbm>>) target_semaphore(%arg10 : memref<!tpu.dma_semaphore, #tpu.memory_space<semaphore_mem>>)
      %mul3A_814 = arith.constant 200 : i32
      %mul3A_815 = arith.muli %add3A, %mul3A_814 : i32
      %mul3A_816 = arith.constant 5 : i32
      %mul3A_817 = arith.muli %add3A_710, %mul3A_816 : i32
      %add3A_818 = arith.addi %mul3A_815, %mul3A_817 : i32
      %add3A_819 = arith.constant 1 : i32
      %add3A_820 = arith.addi %add3A_818, %add3A_819 : i32
      %mul3A_821 = arith.constant 128 : i32
      %mul3A_822 = arith.muli %add3A_820, %mul3A_821 : i32
      %dma_start3A_823 = arith.constant 1 : i32
      %dma_start3A_824 = arith.constant 1 : i32
      %dma_start3A_825 = arith.constant 0 : i32
      %dma_start3A_826 = arith.constant 0 : i32
      %dma_start3A_827 = tpu.memref_slice %arg6[%dma_start3A_823, %dma_start3A_824, %dma_start3A_825, %dma_start3A_826] : memref<2x5x128x64xf32, #tpu.memory_space<vmem>> -> memref<1x1x128x64xf32, #tpu.memory_space<vmem>>
      %dma_start3A_828 = tpu.memref_squeeze %dma_start3A_827 : memref<1x1x128x64xf32, #tpu.memory_space<vmem>> -> memref<128x64xf32, #tpu.memory_space<vmem>>
      %dma_start3A_829 = arith.constant 0 : i32
      %dma_start3A_830 = tpu.memref_slice %arg4[%mul3A_822, %dma_start3A_829] : memref<819200x64xf32, #tpu.memory_space<hbm>> -> memref<128x64xf32, #tpu.memory_space<hbm>>
      %dma_start3A_831 = arith.constant 0 : i32
      %dma_start3A_832 = tpu.memref_slice %arg4[%mul3A_822, %dma_start3A_831] : memref<819200x64xf32, #tpu.memory_space<hbm>> -> memref<128x64xf32, #tpu.memory_space<hbm>>
      %dma_start3A_833 = arith.constant 0 : i32
      %dma_start3A_834 = arith.constant 0 : i32
      %dma_start3A_835 = tpu.memref_slice %arg6[%dma_start3A_823, %dma_start3A_824, %dma_start3A_833, %dma_start3A_834] : memref<2x5x128x64xf32, #tpu.memory_space<vmem>> -> memref<1x1x128x64xf32, #tpu.memory_space<vmem>>
      %dma_start3A_836 = tpu.memref_squeeze %dma_start3A_835 : memref<1x1x128x64xf32, #tpu.memory_space<vmem>> -> memref<128x64xf32, #tpu.memory_space<vmem>>
      tpu.enqueue_dma source(%dma_start3A_836 : memref<128x64xf32, #tpu.memory_space<vmem>>) target(%dma_start3A_832 : memref<128x64xf32, #tpu.memory_space<hbm>>) target_semaphore(%arg10 : memref<!tpu.dma_semaphore, #tpu.memory_space<semaphore_mem>>)
      %mul3A_837 = arith.constant 200 : i32
      %mul3A_838 = arith.muli %add3A, %mul3A_837 : i32
      %mul3A_839 = arith.constant 5 : i32
      %mul3A_840 = arith.muli %add3A_710, %mul3A_839 : i32
      %add3A_841 = arith.addi %mul3A_838, %mul3A_840 : i32
      %add3A_842 = arith.constant 2 : i32
      %add3A_843 = arith.addi %add3A_841, %add3A_842 : i32
      %mul3A_844 = arith.constant 128 : i32
      %mul3A_845 = arith.muli %add3A_843, %mul3A_844 : i32
      %dma_start3A_846 = arith.constant 1 : i32
      %dma_start3A_847 = arith.constant 2 : i32
      %dma_start3A_848 = arith.constant 0 : i32
      %dma_start3A_849 = arith.constant 0 : i32
      %dma_start3A_850 = tpu.memref_slice %arg6[%dma_start3A_846, %dma_start3A_847, %dma_start3A_848, %dma_start3A_849] : memref<2x5x128x64xf32, #tpu.memory_space<vmem>> -> memref<1x1x128x64xf32, #tpu.memory_space<vmem>>
      %dma_start3A_851 = tpu.memref_squeeze %dma_start3A_850 : memref<1x1x128x64xf32, #tpu.memory_space<vmem>> -> memref<128x64xf32, #tpu.memory_space<vmem>>
      %dma_start3A_852 = arith.constant 0 : i32
      %dma_start3A_853 = tpu.memref_slice %arg4[%mul3A_845, %dma_start3A_852] : memref<819200x64xf32, #tpu.memory_space<hbm>> -> memref<128x64xf32, #tpu.memory_space<hbm>>
      %dma_start3A_854 = arith.constant 0 : i32
      %dma_start3A_855 = tpu.memref_slice %arg4[%mul3A_845, %dma_start3A_854] : memref<819200x64xf32, #tpu.memory_space<hbm>> -> memref<128x64xf32, #tpu.memory_space<hbm>>
      %dma_start3A_856 = arith.constant 0 : i32
      %dma_start3A_857 = arith.constant 0 : i32
      %dma_start3A_858 = tpu.memref_slice %arg6[%dma_start3A_846, %dma_start3A_847, %dma_start3A_856, %dma_start3A_857] : memref<2x5x128x64xf32, #tpu.memory_space<vmem>> -> memref<1x1x128x64xf32, #tpu.memory_space<vmem>>
      %dma_start3A_859 = tpu.memref_squeeze %dma_start3A_858 : memref<1x1x128x64xf32, #tpu.memory_space<vmem>> -> memref<128x64xf32, #tpu.memory_space<vmem>>
      tpu.enqueue_dma source(%dma_start3A_859 : memref<128x64xf32, #tpu.memory_space<vmem>>) target(%dma_start3A_855 : memref<128x64xf32, #tpu.memory_space<hbm>>) target_semaphore(%arg10 : memref<!tpu.dma_semaphore, #tpu.memory_space<semaphore_mem>>)
      %mul3A_860 = arith.constant 200 : i32
      %mul3A_861 = arith.muli %add3A, %mul3A_860 : i32
      %mul3A_862 = arith.constant 5 : i32
      %mul3A_863 = arith.muli %add3A_710, %mul3A_862 : i32
      %add3A_864 = arith.addi %mul3A_861, %mul3A_863 : i32
      %add3A_865 = arith.constant 3 : i32
      %add3A_866 = arith.addi %add3A_864, %add3A_865 : i32
      %mul3A_867 = arith.constant 128 : i32
      %mul3A_868 = arith.muli %add3A_866, %mul3A_867 : i32
      %dma_start3A_869 = arith.constant 1 : i32
      %dma_start3A_870 = arith.constant 3 : i32
      %dma_start3A_871 = arith.constant 0 : i32
      %dma_start3A_872 = arith.constant 0 : i32
      %dma_start3A_873 = tpu.memref_slice %arg6[%dma_start3A_869, %dma_start3A_870, %dma_start3A_871, %dma_start3A_872] : memref<2x5x128x64xf32, #tpu.memory_space<vmem>> -> memref<1x1x128x64xf32, #tpu.memory_space<vmem>>
      %dma_start3A_874 = tpu.memref_squeeze %dma_start3A_873 : memref<1x1x128x64xf32, #tpu.memory_space<vmem>> -> memref<128x64xf32, #tpu.memory_space<vmem>>
      %dma_start3A_875 = arith.constant 0 : i32
      %dma_start3A_876 = tpu.memref_slice %arg4[%mul3A_868, %dma_start3A_875] : memref<819200x64xf32, #tpu.memory_space<hbm>> -> memref<128x64xf32, #tpu.memory_space<hbm>>
      %dma_start3A_877 = arith.constant 0 : i32
      %dma_start3A_878 = tpu.memref_slice %arg4[%mul3A_868, %dma_start3A_877] : memref<819200x64xf32, #tpu.memory_space<hbm>> -> memref<128x64xf32, #tpu.memory_space<hbm>>
      %dma_start3A_879 = arith.constant 0 : i32
      %dma_start3A_880 = arith.constant 0 : i32
      %dma_start3A_881 = tpu.memref_slice %arg6[%dma_start3A_869, %dma_start3A_870, %dma_start3A_879, %dma_start3A_880] : memref<2x5x128x64xf32, #tpu.memory_space<vmem>> -> memref<1x1x128x64xf32, #tpu.memory_space<vmem>>
      %dma_start3A_882 = tpu.memref_squeeze %dma_start3A_881 : memref<1x1x128x64xf32, #tpu.memory_space<vmem>> -> memref<128x64xf32, #tpu.memory_space<vmem>>
      tpu.enqueue_dma source(%dma_start3A_882 : memref<128x64xf32, #tpu.memory_space<vmem>>) target(%dma_start3A_878 : memref<128x64xf32, #tpu.memory_space<hbm>>) target_semaphore(%arg10 : memref<!tpu.dma_semaphore, #tpu.memory_space<semaphore_mem>>)
      %mul3A_883 = arith.constant 200 : i32
      %mul3A_884 = arith.muli %add3A, %mul3A_883 : i32
      %mul3A_885 = arith.constant 5 : i32
      %mul3A_886 = arith.muli %add3A_710, %mul3A_885 : i32
      %add3A_887 = arith.addi %mul3A_884, %mul3A_886 : i32
      %add3A_888 = arith.constant 4 : i32
      %add3A_889 = arith.addi %add3A_887, %add3A_888 : i32
      %mul3A_890 = arith.constant 128 : i32
      %mul3A_891 = arith.muli %add3A_889, %mul3A_890 : i32
      %dma_start3A_892 = arith.constant 1 : i32
      %dma_start3A_893 = arith.constant 4 : i32
      %dma_start3A_894 = arith.constant 0 : i32
      %dma_start3A_895 = arith.constant 0 : i32
      %dma_start3A_896 = tpu.memref_slice %arg6[%dma_start3A_892, %dma_start3A_893, %dma_start3A_894, %dma_start3A_895] : memref<2x5x128x64xf32, #tpu.memory_space<vmem>> -> memref<1x1x128x64xf32, #tpu.memory_space<vmem>>
      %dma_start3A_897 = tpu.memref_squeeze %dma_start3A_896 : memref<1x1x128x64xf32, #tpu.memory_space<vmem>> -> memref<128x64xf32, #tpu.memory_space<vmem>>
      %dma_start3A_898 = arith.constant 0 : i32
      %dma_start3A_899 = tpu.memref_slice %arg4[%mul3A_891, %dma_start3A_898] : memref<819200x64xf32, #tpu.memory_space<hbm>> -> memref<128x64xf32, #tpu.memory_space<hbm>>
      %dma_start3A_900 = arith.constant 0 : i32
      %dma_start3A_901 = tpu.memref_slice %arg4[%mul3A_891, %dma_start3A_900] : memref<819200x64xf32, #tpu.memory_space<hbm>> -> memref<128x64xf32, #tpu.memory_space<hbm>>
      %dma_start3A_902 = arith.constant 0 : i32
      %dma_start3A_903 = arith.constant 0 : i32
      %dma_start3A_904 = tpu.memref_slice %arg6[%dma_start3A_892, %dma_start3A_893, %dma_start3A_902, %dma_start3A_903] : memref<2x5x128x64xf32, #tpu.memory_space<vmem>> -> memref<1x1x128x64xf32, #tpu.memory_space<vmem>>
      %dma_start3A_905 = tpu.memref_squeeze %dma_start3A_904 : memref<1x1x128x64xf32, #tpu.memory_space<vmem>> -> memref<128x64xf32, #tpu.memory_space<vmem>>
      tpu.enqueue_dma source(%dma_start3A_905 : memref<128x64xf32, #tpu.memory_space<vmem>>) target(%dma_start3A_901 : memref<128x64xf32, #tpu.memory_space<hbm>>) target_semaphore(%arg10 : memref<!tpu.dma_semaphore, #tpu.memory_space<semaphore_mem>>)
      %sub3A = arith.constant 1 : i32
      %sub3A_906 = arith.subi %add3A_710, %sub3A : i32
      %mul3A_907 = arith.constant 200 : i32
      %mul3A_908 = arith.muli %add3A, %mul3A_907 : i32
      %mul3A_909 = arith.constant 5 : i32
      %mul3A_910 = arith.muli %sub3A_906, %mul3A_909 : i32
      %add3A_911 = arith.addi %mul3A_908, %mul3A_910 : i32
      %add3A_912 = arith.constant 0 : i32
      %add3A_913 = arith.addi %add3A_911, %add3A_912 : i32
      %mul3A_914 = arith.constant 128 : i32
      %mul3A_915 = arith.muli %add3A_913, %mul3A_914 : i32
      %dma_wait3A_916 = arith.constant 0 : i32
      %dma_wait3A_917 = arith.constant 0 : i32
      %dma_wait3A_918 = arith.constant 0 : i32
      %dma_wait3A_919 = arith.constant 0 : i32
      %dma_wait3A_920 = tpu.memref_slice %arg6[%dma_wait3A_916, %dma_wait3A_917, %dma_wait3A_918, %dma_wait3A_919] : memref<2x5x128x64xf32, #tpu.memory_space<vmem>> -> memref<1x1x128x64xf32, #tpu.memory_space<vmem>>
      %dma_wait3A_921 = tpu.memref_squeeze %dma_wait3A_920 : memref<1x1x128x64xf32, #tpu.memory_space<vmem>> -> memref<128x64xf32, #tpu.memory_space<vmem>>
      %dma_wait3A_922 = arith.constant 0 : i32
      %dma_wait3A_923 = tpu.memref_slice %arg4[%mul3A_915, %dma_wait3A_922] : memref<819200x64xf32, #tpu.memory_space<hbm>> -> memref<128x64xf32, #tpu.memory_space<hbm>>
      %dma_wait3A_924 = arith.constant 0 : i32
      %dma_wait3A_925 = tpu.memref_slice %arg4[%mul3A_915, %dma_wait3A_924] : memref<819200x64xf32, #tpu.memory_space<hbm>> -> memref<128x64xf32, #tpu.memory_space<hbm>>
      %dma_wait3A_926 = arith.constant 0 : i32
      %dma_wait3A_927 = arith.constant 0 : i32
      %dma_wait3A_928 = tpu.memref_slice %arg6[%dma_wait3A_916, %dma_wait3A_917, %dma_wait3A_926, %dma_wait3A_927] : memref<2x5x128x64xf32, #tpu.memory_space<vmem>> -> memref<1x1x128x64xf32, #tpu.memory_space<vmem>>
      %dma_wait3A_929 = tpu.memref_squeeze %dma_wait3A_928 : memref<1x1x128x64xf32, #tpu.memory_space<vmem>> -> memref<128x64xf32, #tpu.memory_space<vmem>>
      tpu.wait_dma2 semaphore(%arg9 : memref<!tpu.dma_semaphore, #tpu.memory_space<semaphore_mem>>) src(%dma_wait3A_929 : memref<128x64xf32, #tpu.memory_space<vmem>>) dst(%dma_wait3A_925 : memref<128x64xf32, #tpu.memory_space<hbm>>)
      %mul3A_930 = arith.constant 200 : i32
      %mul3A_931 = arith.muli %add3A, %mul3A_930 : i32
      %mul3A_932 = arith.constant 5 : i32
      %mul3A_933 = arith.muli %sub3A_906, %mul3A_932 : i32
      %add3A_934 = arith.addi %mul3A_931, %mul3A_933 : i32
      %add3A_935 = arith.constant 1 : i32
      %add3A_936 = arith.addi %add3A_934, %add3A_935 : i32
      %mul3A_937 = arith.constant 128 : i32
      %mul3A_938 = arith.muli %add3A_936, %mul3A_937 : i32
      %dma_wait3A_939 = arith.constant 0 : i32
      %dma_wait3A_940 = arith.constant 1 : i32
      %dma_wait3A_941 = arith.constant 0 : i32
      %dma_wait3A_942 = arith.constant 0 : i32
      %dma_wait3A_943 = tpu.memref_slice %arg6[%dma_wait3A_939, %dma_wait3A_940, %dma_wait3A_941, %dma_wait3A_942] : memref<2x5x128x64xf32, #tpu.memory_space<vmem>> -> memref<1x1x128x64xf32, #tpu.memory_space<vmem>>
      %dma_wait3A_944 = tpu.memref_squeeze %dma_wait3A_943 : memref<1x1x128x64xf32, #tpu.memory_space<vmem>> -> memref<128x64xf32, #tpu.memory_space<vmem>>
      %dma_wait3A_945 = arith.constant 0 : i32
      %dma_wait3A_946 = tpu.memref_slice %arg4[%mul3A_938, %dma_wait3A_945] : memref<819200x64xf32, #tpu.memory_space<hbm>> -> memref<128x64xf32, #tpu.memory_space<hbm>>
      %dma_wait3A_947 = arith.constant 0 : i32
      %dma_wait3A_948 = tpu.memref_slice %arg4[%mul3A_938, %dma_wait3A_947] : memref<819200x64xf32, #tpu.memory_space<hbm>> -> memref<128x64xf32, #tpu.memory_space<hbm>>
      %dma_wait3A_949 = arith.constant 0 : i32
      %dma_wait3A_950 = arith.constant 0 : i32
      %dma_wait3A_951 = tpu.memref_slice %arg6[%dma_wait3A_939, %dma_wait3A_940, %dma_wait3A_949, %dma_wait3A_950] : memref<2x5x128x64xf32, #tpu.memory_space<vmem>> -> memref<1x1x128x64xf32, #tpu.memory_space<vmem>>
      %dma_wait3A_952 = tpu.memref_squeeze %dma_wait3A_951 : memref<1x1x128x64xf32, #tpu.memory_space<vmem>> -> memref<128x64xf32, #tpu.memory_space<vmem>>
      tpu.wait_dma2 semaphore(%arg9 : memref<!tpu.dma_semaphore, #tpu.memory_space<semaphore_mem>>) src(%dma_wait3A_952 : memref<128x64xf32, #tpu.memory_space<vmem>>) dst(%dma_wait3A_948 : memref<128x64xf32, #tpu.memory_space<hbm>>)
      %mul3A_953 = arith.constant 200 : i32
      %mul3A_954 = arith.muli %add3A, %mul3A_953 : i32
      %mul3A_955 = arith.constant 5 : i32
      %mul3A_956 = arith.muli %sub3A_906, %mul3A_955 : i32
      %add3A_957 = arith.addi %mul3A_954, %mul3A_956 : i32
      %add3A_958 = arith.constant 2 : i32
      %add3A_959 = arith.addi %add3A_957, %add3A_958 : i32
      %mul3A_960 = arith.constant 128 : i32
      %mul3A_961 = arith.muli %add3A_959, %mul3A_960 : i32
      %dma_wait3A_962 = arith.constant 0 : i32
      %dma_wait3A_963 = arith.constant 2 : i32
      %dma_wait3A_964 = arith.constant 0 : i32
      %dma_wait3A_965 = arith.constant 0 : i32
      %dma_wait3A_966 = tpu.memref_slice %arg6[%dma_wait3A_962, %dma_wait3A_963, %dma_wait3A_964, %dma_wait3A_965] : memref<2x5x128x64xf32, #tpu.memory_space<vmem>> -> memref<1x1x128x64xf32, #tpu.memory_space<vmem>>
      %dma_wait3A_967 = tpu.memref_squeeze %dma_wait3A_966 : memref<1x1x128x64xf32, #tpu.memory_space<vmem>> -> memref<128x64xf32, #tpu.memory_space<vmem>>
      %dma_wait3A_968 = arith.constant 0 : i32
      %dma_wait3A_969 = tpu.memref_slice %arg4[%mul3A_961, %dma_wait3A_968] : memref<819200x64xf32, #tpu.memory_space<hbm>> -> memref<128x64xf32, #tpu.memory_space<hbm>>
      %dma_wait3A_970 = arith.constant 0 : i32
      %dma_wait3A_971 = tpu.memref_slice %arg4[%mul3A_961, %dma_wait3A_970] : memref<819200x64xf32, #tpu.memory_space<hbm>> -> memref<128x64xf32, #tpu.memory_space<hbm>>
      %dma_wait3A_972 = arith.constant 0 : i32
      %dma_wait3A_973 = arith.constant 0 : i32
      %dma_wait3A_974 = tpu.memref_slice %arg6[%dma_wait3A_962, %dma_wait3A_963, %dma_wait3A_972, %dma_wait3A_973] : memref<2x5x128x64xf32, #tpu.memory_space<vmem>> -> memref<1x1x128x64xf32, #tpu.memory_space<vmem>>
      %dma_wait3A_975 = tpu.memref_squeeze %dma_wait3A_974 : memref<1x1x128x64xf32, #tpu.memory_space<vmem>> -> memref<128x64xf32, #tpu.memory_space<vmem>>
      tpu.wait_dma2 semaphore(%arg9 : memref<!tpu.dma_semaphore, #tpu.memory_space<semaphore_mem>>) src(%dma_wait3A_975 : memref<128x64xf32, #tpu.memory_space<vmem>>) dst(%dma_wait3A_971 : memref<128x64xf32, #tpu.memory_space<hbm>>)
      %mul3A_976 = arith.constant 200 : i32
      %mul3A_977 = arith.muli %add3A, %mul3A_976 : i32
      %mul3A_978 = arith.constant 5 : i32
      %mul3A_979 = arith.muli %sub3A_906, %mul3A_978 : i32
      %add3A_980 = arith.addi %mul3A_977, %mul3A_979 : i32
      %add3A_981 = arith.constant 3 : i32
      %add3A_982 = arith.addi %add3A_980, %add3A_981 : i32
      %mul3A_983 = arith.constant 128 : i32
      %mul3A_984 = arith.muli %add3A_982, %mul3A_983 : i32
      %dma_wait3A_985 = arith.constant 0 : i32
      %dma_wait3A_986 = arith.constant 3 : i32
      %dma_wait3A_987 = arith.constant 0 : i32
      %dma_wait3A_988 = arith.constant 0 : i32
      %dma_wait3A_989 = tpu.memref_slice %arg6[%dma_wait3A_985, %dma_wait3A_986, %dma_wait3A_987, %dma_wait3A_988] : memref<2x5x128x64xf32, #tpu.memory_space<vmem>> -> memref<1x1x128x64xf32, #tpu.memory_space<vmem>>
      %dma_wait3A_990 = tpu.memref_squeeze %dma_wait3A_989 : memref<1x1x128x64xf32, #tpu.memory_space<vmem>> -> memref<128x64xf32, #tpu.memory_space<vmem>>
      %dma_wait3A_991 = arith.constant 0 : i32
      %dma_wait3A_992 = tpu.memref_slice %arg4[%mul3A_984, %dma_wait3A_991] : memref<819200x64xf32, #tpu.memory_space<hbm>> -> memref<128x64xf32, #tpu.memory_space<hbm>>
      %dma_wait3A_993 = arith.constant 0 : i32
      %dma_wait3A_994 = tpu.memref_slice %arg4[%mul3A_984, %dma_wait3A_993] : memref<819200x64xf32, #tpu.memory_space<hbm>> -> memref<128x64xf32, #tpu.memory_space<hbm>>
      %dma_wait3A_995 = arith.constant 0 : i32
      %dma_wait3A_996 = arith.constant 0 : i32
      %dma_wait3A_997 = tpu.memref_slice %arg6[%dma_wait3A_985, %dma_wait3A_986, %dma_wait3A_995, %dma_wait3A_996] : memref<2x5x128x64xf32, #tpu.memory_space<vmem>> -> memref<1x1x128x64xf32, #tpu.memory_space<vmem>>
      %dma_wait3A_998 = tpu.memref_squeeze %dma_wait3A_997 : memref<1x1x128x64xf32, #tpu.memory_space<vmem>> -> memref<128x64xf32, #tpu.memory_space<vmem>>
      tpu.wait_dma2 semaphore(%arg9 : memref<!tpu.dma_semaphore, #tpu.memory_space<semaphore_mem>>) src(%dma_wait3A_998 : memref<128x64xf32, #tpu.memory_space<vmem>>) dst(%dma_wait3A_994 : memref<128x64xf32, #tpu.memory_space<hbm>>)
      %mul3A_999 = arith.constant 200 : i32
      %mul3A_1000 = arith.muli %add3A, %mul3A_999 : i32
      %mul3A_1001 = arith.constant 5 : i32
      %mul3A_1002 = arith.muli %sub3A_906, %mul3A_1001 : i32
      %add3A_1003 = arith.addi %mul3A_1000, %mul3A_1002 : i32
      %add3A_1004 = arith.constant 4 : i32
      %add3A_1005 = arith.addi %add3A_1003, %add3A_1004 : i32
      %mul3A_1006 = arith.constant 128 : i32
      %mul3A_1007 = arith.muli %add3A_1005, %mul3A_1006 : i32
      %dma_wait3A_1008 = arith.constant 0 : i32
      %dma_wait3A_1009 = arith.constant 4 : i32
      %dma_wait3A_1010 = arith.constant 0 : i32
      %dma_wait3A_1011 = arith.constant 0 : i32
      %dma_wait3A_1012 = tpu.memref_slice %arg6[%dma_wait3A_1008, %dma_wait3A_1009, %dma_wait3A_1010, %dma_wait3A_1011] : memref<2x5x128x64xf32, #tpu.memory_space<vmem>> -> memref<1x1x128x64xf32, #tpu.memory_space<vmem>>
      %dma_wait3A_1013 = tpu.memref_squeeze %dma_wait3A_1012 : memref<1x1x128x64xf32, #tpu.memory_space<vmem>> -> memref<128x64xf32, #tpu.memory_space<vmem>>
      %dma_wait3A_1014 = arith.constant 0 : i32
      %dma_wait3A_1015 = tpu.memref_slice %arg4[%mul3A_1007, %dma_wait3A_1014] : memref<819200x64xf32, #tpu.memory_space<hbm>> -> memref<128x64xf32, #tpu.memory_space<hbm>>
      %dma_wait3A_1016 = arith.constant 0 : i32
      %dma_wait3A_1017 = tpu.memref_slice %arg4[%mul3A_1007, %dma_wait3A_1016] : memref<819200x64xf32, #tpu.memory_space<hbm>> -> memref<128x64xf32, #tpu.memory_space<hbm>>
      %dma_wait3A_1018 = arith.constant 0 : i32
      %dma_wait3A_1019 = arith.constant 0 : i32
      %dma_wait3A_1020 = tpu.memref_slice %arg6[%dma_wait3A_1008, %dma_wait3A_1009, %dma_wait3A_1018, %dma_wait3A_1019] : memref<2x5x128x64xf32, #tpu.memory_space<vmem>> -> memref<1x1x128x64xf32, #tpu.memory_space<vmem>>
      %dma_wait3A_1021 = tpu.memref_squeeze %dma_wait3A_1020 : memref<1x1x128x64xf32, #tpu.memory_space<vmem>> -> memref<128x64xf32, #tpu.memory_space<vmem>>
      tpu.wait_dma2 semaphore(%arg9 : memref<!tpu.dma_semaphore, #tpu.memory_space<semaphore_mem>>) src(%dma_wait3A_1021 : memref<128x64xf32, #tpu.memory_space<vmem>>) dst(%dma_wait3A_1017 : memref<128x64xf32, #tpu.memory_space<hbm>>)
      %add3A_1022 = arith.constant 1 : i32
      %add3A_1023 = arith.addi %add3A_710, %add3A_1022 : i32
      %mul3A_1024 = arith.constant 5 : i32
      %mul3A_1025 = arith.muli %add3A_1023, %mul3A_1024 : i32
      %add3A_1026 = arith.constant 0 : i32
      %add3A_1027 = arith.addi %mul3A_1025, %add3A_1026 : i32
      %dma_start3A_1028 = arith.constant 0 : i32
      %dma_start3A_1029 = arith.constant 0 : i32
      %dma_start3A_1030 = arith.constant 0 : i32
      %dma_start3A_1031 = arith.constant 0 : i32
      %dma_start3A_1032 = tpu.memref_slice %arg6[%dma_start3A_1028, %dma_start3A_1029, %dma_start3A_1030, %dma_start3A_1031] : memref<2x5x128x64xf32, #tpu.memory_space<vmem>> -> memref<1x1x128x64xf32, #tpu.memory_space<vmem>>
      %dma_start3A_1033 = tpu.memref_squeeze %dma_start3A_1032 : memref<1x1x128x64xf32, #tpu.memory_space<vmem>> -> memref<128x64xf32, #tpu.memory_space<vmem>>
      %dma_start3A_1034 = arith.constant 0 : i32
      %dma_start3A_1035 = tpu.memref_slice %arg5[%add3A_1027, %dma_start3A_1034] : memref<200x128xi32, #tpu.memory_space<vmem>> -> memref<1x128xi32, #tpu.memory_space<vmem>>
      %dma_start3A_1036 = tpu.memref_squeeze %dma_start3A_1035 : memref<1x128xi32, #tpu.memory_space<vmem>> -> memref<128xi32, #tpu.memory_space<vmem>>
      %dma_start3A_1037 = arith.constant 0 : i32
      %dma_start3A_1038 = arith.constant 0 : i32
      %dma_start3A_1039 = tpu.memref_slice %arg3[%dma_start3A_1037, %dma_start3A_1038] : memref<1000000x64xf32, #tpu.memory_space<hbm>> -> memref<1000000x64xf32, #tpu.memory_space<hbm>>
      tpu.enqueue_indirect_dma source(%dma_start3A_1039 : memref<1000000x64xf32, #tpu.memory_space<hbm>>) target(%dma_start3A_1033 : memref<128x64xf32, #tpu.memory_space<vmem>>) offsets(%dma_start3A_1036 : memref<128xi32, #tpu.memory_space<vmem>>) semaphore(%arg7 : memref<!tpu.dma_semaphore, #tpu.memory_space<semaphore_mem>>)
      %mul3A_1040 = arith.constant 5 : i32
      %mul3A_1041 = arith.muli %add3A_1023, %mul3A_1040 : i32
      %add3A_1042 = arith.constant 1 : i32
      %add3A_1043 = arith.addi %mul3A_1041, %add3A_1042 : i32
      %dma_start3A_1044 = arith.constant 0 : i32
      %dma_start3A_1045 = arith.constant 1 : i32
      %dma_start3A_1046 = arith.constant 0 : i32
      %dma_start3A_1047 = arith.constant 0 : i32
      %dma_start3A_1048 = tpu.memref_slice %arg6[%dma_start3A_1044, %dma_start3A_1045, %dma_start3A_1046, %dma_start3A_1047] : memref<2x5x128x64xf32, #tpu.memory_space<vmem>> -> memref<1x1x128x64xf32, #tpu.memory_space<vmem>>
      %dma_start3A_1049 = tpu.memref_squeeze %dma_start3A_1048 : memref<1x1x128x64xf32, #tpu.memory_space<vmem>> -> memref<128x64xf32, #tpu.memory_space<vmem>>
      %dma_start3A_1050 = arith.constant 0 : i32
      %dma_start3A_1051 = tpu.memref_slice %arg5[%add3A_1043, %dma_start3A_1050] : memref<200x128xi32, #tpu.memory_space<vmem>> -> memref<1x128xi32, #tpu.memory_space<vmem>>
      %dma_start3A_1052 = tpu.memref_squeeze %dma_start3A_1051 : memref<1x128xi32, #tpu.memory_space<vmem>> -> memref<128xi32, #tpu.memory_space<vmem>>
      %dma_start3A_1053 = arith.constant 0 : i32
      %dma_start3A_1054 = arith.constant 0 : i32
      %dma_start3A_1055 = tpu.memref_slice %arg3[%dma_start3A_1053, %dma_start3A_1054] : memref<1000000x64xf32, #tpu.memory_space<hbm>> -> memref<1000000x64xf32, #tpu.memory_space<hbm>>
      tpu.enqueue_indirect_dma source(%dma_start3A_1055 : memref<1000000x64xf32, #tpu.memory_space<hbm>>) target(%dma_start3A_1049 : memref<128x64xf32, #tpu.memory_space<vmem>>) offsets(%dma_start3A_1052 : memref<128xi32, #tpu.memory_space<vmem>>) semaphore(%arg7 : memref<!tpu.dma_semaphore, #tpu.memory_space<semaphore_mem>>)
      %mul3A_1056 = arith.constant 5 : i32
      %mul3A_1057 = arith.muli %add3A_1023, %mul3A_1056 : i32
      %add3A_1058 = arith.constant 2 : i32
      %add3A_1059 = arith.addi %mul3A_1057, %add3A_1058 : i32
      %dma_start3A_1060 = arith.constant 0 : i32
      %dma_start3A_1061 = arith.constant 2 : i32
      %dma_start3A_1062 = arith.constant 0 : i32
      %dma_start3A_1063 = arith.constant 0 : i32
      %dma_start3A_1064 = tpu.memref_slice %arg6[%dma_start3A_1060, %dma_start3A_1061, %dma_start3A_1062, %dma_start3A_1063] : memref<2x5x128x64xf32, #tpu.memory_space<vmem>> -> memref<1x1x128x64xf32, #tpu.memory_space<vmem>>
      %dma_start3A_1065 = tpu.memref_squeeze %dma_start3A_1064 : memref<1x1x128x64xf32, #tpu.memory_space<vmem>> -> memref<128x64xf32, #tpu.memory_space<vmem>>
      %dma_start3A_1066 = arith.constant 0 : i32
      %dma_start3A_1067 = tpu.memref_slice %arg5[%add3A_1059, %dma_start3A_1066] : memref<200x128xi32, #tpu.memory_space<vmem>> -> memref<1x128xi32, #tpu.memory_space<vmem>>
      %dma_start3A_1068 = tpu.memref_squeeze %dma_start3A_1067 : memref<1x128xi32, #tpu.memory_space<vmem>> -> memref<128xi32, #tpu.memory_space<vmem>>
      %dma_start3A_1069 = arith.constant 0 : i32
      %dma_start3A_1070 = arith.constant 0 : i32
      %dma_start3A_1071 = tpu.memref_slice %arg3[%dma_start3A_1069, %dma_start3A_1070] : memref<1000000x64xf32, #tpu.memory_space<hbm>> -> memref<1000000x64xf32, #tpu.memory_space<hbm>>
      tpu.enqueue_indirect_dma source(%dma_start3A_1071 : memref<1000000x64xf32, #tpu.memory_space<hbm>>) target(%dma_start3A_1065 : memref<128x64xf32, #tpu.memory_space<vmem>>) offsets(%dma_start3A_1068 : memref<128xi32, #tpu.memory_space<vmem>>) semaphore(%arg7 : memref<!tpu.dma_semaphore, #tpu.memory_space<semaphore_mem>>)
      %mul3A_1072 = arith.constant 5 : i32
      %mul3A_1073 = arith.muli %add3A_1023, %mul3A_1072 : i32
      %add3A_1074 = arith.constant 3 : i32
      %add3A_1075 = arith.addi %mul3A_1073, %add3A_1074 : i32
      %dma_start3A_1076 = arith.constant 0 : i32
      %dma_start3A_1077 = arith.constant 3 : i32
      %dma_start3A_1078 = arith.constant 0 : i32
      %dma_start3A_1079 = arith.constant 0 : i32
      %dma_start3A_1080 = tpu.memref_slice %arg6[%dma_start3A_1076, %dma_start3A_1077, %dma_start3A_1078, %dma_start3A_1079] : memref<2x5x128x64xf32, #tpu.memory_space<vmem>> -> memref<1x1x128x64xf32, #tpu.memory_space<vmem>>
      %dma_start3A_1081 = tpu.memref_squeeze %dma_start3A_1080 : memref<1x1x128x64xf32, #tpu.memory_space<vmem>> -> memref<128x64xf32, #tpu.memory_space<vmem>>
      %dma_start3A_1082 = arith.constant 0 : i32
      %dma_start3A_1083 = tpu.memref_slice %arg5[%add3A_1075, %dma_start3A_1082] : memref<200x128xi32, #tpu.memory_space<vmem>> -> memref<1x128xi32, #tpu.memory_space<vmem>>
      %dma_start3A_1084 = tpu.memref_squeeze %dma_start3A_1083 : memref<1x128xi32, #tpu.memory_space<vmem>> -> memref<128xi32, #tpu.memory_space<vmem>>
      %dma_start3A_1085 = arith.constant 0 : i32
      %dma_start3A_1086 = arith.constant 0 : i32
      %dma_start3A_1087 = tpu.memref_slice %arg3[%dma_start3A_1085, %dma_start3A_1086] : memref<1000000x64xf32, #tpu.memory_space<hbm>> -> memref<1000000x64xf32, #tpu.memory_space<hbm>>
      tpu.enqueue_indirect_dma source(%dma_start3A_1087 : memref<1000000x64xf32, #tpu.memory_space<hbm>>) target(%dma_start3A_1081 : memref<128x64xf32, #tpu.memory_space<vmem>>) offsets(%dma_start3A_1084 : memref<128xi32, #tpu.memory_space<vmem>>) semaphore(%arg7 : memref<!tpu.dma_semaphore, #tpu.memory_space<semaphore_mem>>)
      %mul3A_1088 = arith.constant 5 : i32
      %mul3A_1089 = arith.muli %add3A_1023, %mul3A_1088 : i32
      %add3A_1090 = arith.constant 4 : i32
      %add3A_1091 = arith.addi %mul3A_1089, %add3A_1090 : i32
      %dma_start3A_1092 = arith.constant 0 : i32
      %dma_start3A_1093 = arith.constant 4 : i32
      %dma_start3A_1094 = arith.constant 0 : i32
      %dma_start3A_1095 = arith.constant 0 : i32
      %dma_start3A_1096 = tpu.memref_slice %arg6[%dma_start3A_1092, %dma_start3A_1093, %dma_start3A_1094, %dma_start3A_1095] : memref<2x5x128x64xf32, #tpu.memory_space<vmem>> -> memref<1x1x128x64xf32, #tpu.memory_space<vmem>>
      %dma_start3A_1097 = tpu.memref_squeeze %dma_start3A_1096 : memref<1x1x128x64xf32, #tpu.memory_space<vmem>> -> memref<128x64xf32, #tpu.memory_space<vmem>>
      %dma_start3A_1098 = arith.constant 0 : i32
      %dma_start3A_1099 = tpu.memref_slice %arg5[%add3A_1091, %dma_start3A_1098] : memref<200x128xi32, #tpu.memory_space<vmem>> -> memref<1x128xi32, #tpu.memory_space<vmem>>
      %dma_start3A_1100 = tpu.memref_squeeze %dma_start3A_1099 : memref<1x128xi32, #tpu.memory_space<vmem>> -> memref<128xi32, #tpu.memory_space<vmem>>
      %dma_start3A_1101 = arith.constant 0 : i32
      %dma_start3A_1102 = arith.constant 0 : i32
      %dma_start3A_1103 = tpu.memref_slice %arg3[%dma_start3A_1101, %dma_start3A_1102] : memref<1000000x64xf32, #tpu.memory_space<hbm>> -> memref<1000000x64xf32, #tpu.memory_space<hbm>>
      tpu.enqueue_indirect_dma source(%dma_start3A_1103 : memref<1000000x64xf32, #tpu.memory_space<hbm>>) target(%dma_start3A_1097 : memref<128x64xf32, #tpu.memory_space<vmem>>) offsets(%dma_start3A_1100 : memref<128xi32, #tpu.memory_space<vmem>>) semaphore(%arg7 : memref<!tpu.dma_semaphore, #tpu.memory_space<semaphore_mem>>)
      %mul3A_1104 = arith.constant 2 : i32
      %mul3A_1105 = arith.muli %mul3A_1104, %scan3A_704 : i32
      %add3A_1106 = arith.constant 1 : i32
      %add3A_1107 = arith.addi %mul3A_1105, %add3A_1106 : i32
      %add3A_1108 = arith.constant 1 : i32
      %add3A_1109 = arith.addi %add3A_1107, %add3A_1108 : i32
      %mul3A_1110 = arith.constant 5 : i32
      %mul3A_1111 = arith.muli %add3A_1109, %mul3A_1110 : i32
      %add3A_1112 = arith.constant 0 : i32
      %add3A_1113 = arith.addi %mul3A_1111, %add3A_1112 : i32
      %dma_wait3A_1114 = arith.constant 0 : i32
      %dma_wait3A_1115 = arith.constant 0 : i32
      %dma_wait3A_1116 = arith.constant 0 : i32
      %dma_wait3A_1117 = arith.constant 0 : i32
      %dma_wait3A_1118 = tpu.memref_slice %arg6[%dma_wait3A_1114, %dma_wait3A_1115, %dma_wait3A_1116, %dma_wait3A_1117] : memref<2x5x128x64xf32, #tpu.memory_space<vmem>> -> memref<1x1x128x64xf32, #tpu.memory_space<vmem>>
      %dma_wait3A_1119 = tpu.memref_squeeze %dma_wait3A_1118 : memref<1x1x128x64xf32, #tpu.memory_space<vmem>> -> memref<128x64xf32, #tpu.memory_space<vmem>>
      %dma_wait3A_1120 = arith.constant 0 : i32
      %dma_wait3A_1121 = tpu.memref_slice %arg5[%add3A_1113, %dma_wait3A_1120] : memref<200x128xi32, #tpu.memory_space<vmem>> -> memref<1x128xi32, #tpu.memory_space<vmem>>
      %dma_wait3A_1122 = tpu.memref_squeeze %dma_wait3A_1121 : memref<1x128xi32, #tpu.memory_space<vmem>> -> memref<128xi32, #tpu.memory_space<vmem>>
      %dma_wait3A_1123 = arith.constant 0 : i32
      %dma_wait3A_1124 = arith.constant 0 : i32
      %dma_wait3A_1125 = tpu.memref_slice %arg3[%dma_wait3A_1123, %dma_wait3A_1124] : memref<1000000x64xf32, #tpu.memory_space<hbm>> -> memref<1000000x64xf32, #tpu.memory_space<hbm>>
      tpu.wait_indirect_dma semaphore(%arg7 : memref<!tpu.dma_semaphore, #tpu.memory_space<semaphore_mem>>) src(%dma_wait3A_1125 : memref<1000000x64xf32, #tpu.memory_space<hbm>>) dst(%dma_wait3A_1119 : memref<128x64xf32, #tpu.memory_space<vmem>>)
      %mul3A_1126 = arith.constant 5 : i32
      %mul3A_1127 = arith.muli %add3A_1109, %mul3A_1126 : i32
      %add3A_1128 = arith.constant 1 : i32
      %add3A_1129 = arith.addi %mul3A_1127, %add3A_1128 : i32
      %dma_wait3A_1130 = arith.constant 0 : i32
      %dma_wait3A_1131 = arith.constant 1 : i32
      %dma_wait3A_1132 = arith.constant 0 : i32
      %dma_wait3A_1133 = arith.constant 0 : i32
      %dma_wait3A_1134 = tpu.memref_slice %arg6[%dma_wait3A_1130, %dma_wait3A_1131, %dma_wait3A_1132, %dma_wait3A_1133] : memref<2x5x128x64xf32, #tpu.memory_space<vmem>> -> memref<1x1x128x64xf32, #tpu.memory_space<vmem>>
      %dma_wait3A_1135 = tpu.memref_squeeze %dma_wait3A_1134 : memref<1x1x128x64xf32, #tpu.memory_space<vmem>> -> memref<128x64xf32, #tpu.memory_space<vmem>>
      %dma_wait3A_1136 = arith.constant 0 : i32
      %dma_wait3A_1137 = tpu.memref_slice %arg5[%add3A_1129, %dma_wait3A_1136] : memref<200x128xi32, #tpu.memory_space<vmem>> -> memref<1x128xi32, #tpu.memory_space<vmem>>
      %dma_wait3A_1138 = tpu.memref_squeeze %dma_wait3A_1137 : memref<1x128xi32, #tpu.memory_space<vmem>> -> memref<128xi32, #tpu.memory_space<vmem>>
      %dma_wait3A_1139 = arith.constant 0 : i32
      %dma_wait3A_1140 = arith.constant 0 : i32
      %dma_wait3A_1141 = tpu.memref_slice %arg3[%dma_wait3A_1139, %dma_wait3A_1140] : memref<1000000x64xf32, #tpu.memory_space<hbm>> -> memref<1000000x64xf32, #tpu.memory_space<hbm>>
      tpu.wait_indirect_dma semaphore(%arg7 : memref<!tpu.dma_semaphore, #tpu.memory_space<semaphore_mem>>) src(%dma_wait3A_1141 : memref<1000000x64xf32, #tpu.memory_space<hbm>>) dst(%dma_wait3A_1135 : memref<128x64xf32, #tpu.memory_space<vmem>>)
      %mul3A_1142 = arith.constant 5 : i32
      %mul3A_1143 = arith.muli %add3A_1109, %mul3A_1142 : i32
      %add3A_1144 = arith.constant 2 : i32
      %add3A_1145 = arith.addi %mul3A_1143, %add3A_1144 : i32
      %dma_wait3A_1146 = arith.constant 0 : i32
      %dma_wait3A_1147 = arith.constant 2 : i32
      %dma_wait3A_1148 = arith.constant 0 : i32
      %dma_wait3A_1149 = arith.constant 0 : i32
      %dma_wait3A_1150 = tpu.memref_slice %arg6[%dma_wait3A_1146, %dma_wait3A_1147, %dma_wait3A_1148, %dma_wait3A_1149] : memref<2x5x128x64xf32, #tpu.memory_space<vmem>> -> memref<1x1x128x64xf32, #tpu.memory_space<vmem>>
      %dma_wait3A_1151 = tpu.memref_squeeze %dma_wait3A_1150 : memref<1x1x128x64xf32, #tpu.memory_space<vmem>> -> memref<128x64xf32, #tpu.memory_space<vmem>>
      %dma_wait3A_1152 = arith.constant 0 : i32
      %dma_wait3A_1153 = tpu.memref_slice %arg5[%add3A_1145, %dma_wait3A_1152] : memref<200x128xi32, #tpu.memory_space<vmem>> -> memref<1x128xi32, #tpu.memory_space<vmem>>
      %dma_wait3A_1154 = tpu.memref_squeeze %dma_wait3A_1153 : memref<1x128xi32, #tpu.memory_space<vmem>> -> memref<128xi32, #tpu.memory_space<vmem>>
      %dma_wait3A_1155 = arith.constant 0 : i32
      %dma_wait3A_1156 = arith.constant 0 : i32
      %dma_wait3A_1157 = tpu.memref_slice %arg3[%dma_wait3A_1155, %dma_wait3A_1156] : memref<1000000x64xf32, #tpu.memory_space<hbm>> -> memref<1000000x64xf32, #tpu.memory_space<hbm>>
      tpu.wait_indirect_dma semaphore(%arg7 : memref<!tpu.dma_semaphore, #tpu.memory_space<semaphore_mem>>) src(%dma_wait3A_1157 : memref<1000000x64xf32, #tpu.memory_space<hbm>>) dst(%dma_wait3A_1151 : memref<128x64xf32, #tpu.memory_space<vmem>>)
      %mul3A_1158 = arith.constant 5 : i32
      %mul3A_1159 = arith.muli %add3A_1109, %mul3A_1158 : i32
      %add3A_1160 = arith.constant 3 : i32
      %add3A_1161 = arith.addi %mul3A_1159, %add3A_1160 : i32
      %dma_wait3A_1162 = arith.constant 0 : i32
      %dma_wait3A_1163 = arith.constant 3 : i32
      %dma_wait3A_1164 = arith.constant 0 : i32
      %dma_wait3A_1165 = arith.constant 0 : i32
      %dma_wait3A_1166 = tpu.memref_slice %arg6[%dma_wait3A_1162, %dma_wait3A_1163, %dma_wait3A_1164, %dma_wait3A_1165] : memref<2x5x128x64xf32, #tpu.memory_space<vmem>> -> memref<1x1x128x64xf32, #tpu.memory_space<vmem>>
      %dma_wait3A_1167 = tpu.memref_squeeze %dma_wait3A_1166 : memref<1x1x128x64xf32, #tpu.memory_space<vmem>> -> memref<128x64xf32, #tpu.memory_space<vmem>>
      %dma_wait3A_1168 = arith.constant 0 : i32
      %dma_wait3A_1169 = tpu.memref_slice %arg5[%add3A_1161, %dma_wait3A_1168] : memref<200x128xi32, #tpu.memory_space<vmem>> -> memref<1x128xi32, #tpu.memory_space<vmem>>
      %dma_wait3A_1170 = tpu.memref_squeeze %dma_wait3A_1169 : memref<1x128xi32, #tpu.memory_space<vmem>> -> memref<128xi32, #tpu.memory_space<vmem>>
      %dma_wait3A_1171 = arith.constant 0 : i32
      %dma_wait3A_1172 = arith.constant 0 : i32
      %dma_wait3A_1173 = tpu.memref_slice %arg3[%dma_wait3A_1171, %dma_wait3A_1172] : memref<1000000x64xf32, #tpu.memory_space<hbm>> -> memref<1000000x64xf32, #tpu.memory_space<hbm>>
      tpu.wait_indirect_dma semaphore(%arg7 : memref<!tpu.dma_semaphore, #tpu.memory_space<semaphore_mem>>) src(%dma_wait3A_1173 : memref<1000000x64xf32, #tpu.memory_space<hbm>>) dst(%dma_wait3A_1167 : memref<128x64xf32, #tpu.memory_space<vmem>>)
      %mul3A_1174 = arith.constant 5 : i32
      %mul3A_1175 = arith.muli %add3A_1109, %mul3A_1174 : i32
      %add3A_1176 = arith.constant 4 : i32
      %add3A_1177 = arith.addi %mul3A_1175, %add3A_1176 : i32
      %dma_wait3A_1178 = arith.constant 0 : i32
      %dma_wait3A_1179 = arith.constant 4 : i32
      %dma_wait3A_1180 = arith.constant 0 : i32
      %dma_wait3A_1181 = arith.constant 0 : i32
      %dma_wait3A_1182 = tpu.memref_slice %arg6[%dma_wait3A_1178, %dma_wait3A_1179, %dma_wait3A_1180, %dma_wait3A_1181] : memref<2x5x128x64xf32, #tpu.memory_space<vmem>> -> memref<1x1x128x64xf32, #tpu.memory_space<vmem>>
      %dma_wait3A_1183 = tpu.memref_squeeze %dma_wait3A_1182 : memref<1x1x128x64xf32, #tpu.memory_space<vmem>> -> memref<128x64xf32, #tpu.memory_space<vmem>>
      %dma_wait3A_1184 = arith.constant 0 : i32
      %dma_wait3A_1185 = tpu.memref_slice %arg5[%add3A_1177, %dma_wait3A_1184] : memref<200x128xi32, #tpu.memory_space<vmem>> -> memref<1x128xi32, #tpu.memory_space<vmem>>
      %dma_wait3A_1186 = tpu.memref_squeeze %dma_wait3A_1185 : memref<1x128xi32, #tpu.memory_space<vmem>> -> memref<128xi32, #tpu.memory_space<vmem>>
      %dma_wait3A_1187 = arith.constant 0 : i32
      %dma_wait3A_1188 = arith.constant 0 : i32
      %dma_wait3A_1189 = tpu.memref_slice %arg3[%dma_wait3A_1187, %dma_wait3A_1188] : memref<1000000x64xf32, #tpu.memory_space<hbm>> -> memref<1000000x64xf32, #tpu.memory_space<hbm>>
      tpu.wait_indirect_dma semaphore(%arg7 : memref<!tpu.dma_semaphore, #tpu.memory_space<semaphore_mem>>) src(%dma_wait3A_1189 : memref<1000000x64xf32, #tpu.memory_space<hbm>>) dst(%dma_wait3A_1183 : memref<128x64xf32, #tpu.memory_space<vmem>>)
      %mul3A_1190 = arith.constant 200 : i32
      %mul3A_1191 = arith.muli %add3A, %mul3A_1190 : i32
      %mul3A_1192 = arith.constant 5 : i32
      %mul3A_1193 = arith.muli %add3A_1109, %mul3A_1192 : i32
      %add3A_1194 = arith.addi %mul3A_1191, %mul3A_1193 : i32
      %add3A_1195 = arith.constant 0 : i32
      %add3A_1196 = arith.addi %add3A_1194, %add3A_1195 : i32
      %mul3A_1197 = arith.constant 128 : i32
      %mul3A_1198 = arith.muli %add3A_1196, %mul3A_1197 : i32
      %dma_start3A_1199 = arith.constant 0 : i32
      %dma_start3A_1200 = arith.constant 0 : i32
      %dma_start3A_1201 = arith.constant 0 : i32
      %dma_start3A_1202 = arith.constant 0 : i32
      %dma_start3A_1203 = tpu.memref_slice %arg6[%dma_start3A_1199, %dma_start3A_1200, %dma_start3A_1201, %dma_start3A_1202] : memref<2x5x128x64xf32, #tpu.memory_space<vmem>> -> memref<1x1x128x64xf32, #tpu.memory_space<vmem>>
      %dma_start3A_1204 = tpu.memref_squeeze %dma_start3A_1203 : memref<1x1x128x64xf32, #tpu.memory_space<vmem>> -> memref<128x64xf32, #tpu.memory_space<vmem>>
      %dma_start3A_1205 = arith.constant 0 : i32
      %dma_start3A_1206 = tpu.memref_slice %arg4[%mul3A_1198, %dma_start3A_1205] : memref<819200x64xf32, #tpu.memory_space<hbm>> -> memref<128x64xf32, #tpu.memory_space<hbm>>
      %dma_start3A_1207 = arith.constant 0 : i32
      %dma_start3A_1208 = tpu.memref_slice %arg4[%mul3A_1198, %dma_start3A_1207] : memref<819200x64xf32, #tpu.memory_space<hbm>> -> memref<128x64xf32, #tpu.memory_space<hbm>>
      %dma_start3A_1209 = arith.constant 0 : i32
      %dma_start3A_1210 = arith.constant 0 : i32
      %dma_start3A_1211 = tpu.memref_slice %arg6[%dma_start3A_1199, %dma_start3A_1200, %dma_start3A_1209, %dma_start3A_1210] : memref<2x5x128x64xf32, #tpu.memory_space<vmem>> -> memref<1x1x128x64xf32, #tpu.memory_space<vmem>>
      %dma_start3A_1212 = tpu.memref_squeeze %dma_start3A_1211 : memref<1x1x128x64xf32, #tpu.memory_space<vmem>> -> memref<128x64xf32, #tpu.memory_space<vmem>>
      tpu.enqueue_dma source(%dma_start3A_1212 : memref<128x64xf32, #tpu.memory_space<vmem>>) target(%dma_start3A_1208 : memref<128x64xf32, #tpu.memory_space<hbm>>) target_semaphore(%arg9 : memref<!tpu.dma_semaphore, #tpu.memory_space<semaphore_mem>>)
      %mul3A_1213 = arith.constant 200 : i32
      %mul3A_1214 = arith.muli %add3A, %mul3A_1213 : i32
      %mul3A_1215 = arith.constant 5 : i32
      %mul3A_1216 = arith.muli %add3A_1109, %mul3A_1215 : i32
      %add3A_1217 = arith.addi %mul3A_1214, %mul3A_1216 : i32
      %add3A_1218 = arith.constant 1 : i32
      %add3A_1219 = arith.addi %add3A_1217, %add3A_1218 : i32
      %mul3A_1220 = arith.constant 128 : i32
      %mul3A_1221 = arith.muli %add3A_1219, %mul3A_1220 : i32
      %dma_start3A_1222 = arith.constant 0 : i32
      %dma_start3A_1223 = arith.constant 1 : i32
      %dma_start3A_1224 = arith.constant 0 : i32
      %dma_start3A_1225 = arith.constant 0 : i32
      %dma_start3A_1226 = tpu.memref_slice %arg6[%dma_start3A_1222, %dma_start3A_1223, %dma_start3A_1224, %dma_start3A_1225] : memref<2x5x128x64xf32, #tpu.memory_space<vmem>> -> memref<1x1x128x64xf32, #tpu.memory_space<vmem>>
      %dma_start3A_1227 = tpu.memref_squeeze %dma_start3A_1226 : memref<1x1x128x64xf32, #tpu.memory_space<vmem>> -> memref<128x64xf32, #tpu.memory_space<vmem>>
      %dma_start3A_1228 = arith.constant 0 : i32
      %dma_start3A_1229 = tpu.memref_slice %arg4[%mul3A_1221, %dma_start3A_1228] : memref<819200x64xf32, #tpu.memory_space<hbm>> -> memref<128x64xf32, #tpu.memory_space<hbm>>
      %dma_start3A_1230 = arith.constant 0 : i32
      %dma_start3A_1231 = tpu.memref_slice %arg4[%mul3A_1221, %dma_start3A_1230] : memref<819200x64xf32, #tpu.memory_space<hbm>> -> memref<128x64xf32, #tpu.memory_space<hbm>>
      %dma_start3A_1232 = arith.constant 0 : i32
      %dma_start3A_1233 = arith.constant 0 : i32
      %dma_start3A_1234 = tpu.memref_slice %arg6[%dma_start3A_1222, %dma_start3A_1223, %dma_start3A_1232, %dma_start3A_1233] : memref<2x5x128x64xf32, #tpu.memory_space<vmem>> -> memref<1x1x128x64xf32, #tpu.memory_space<vmem>>
      %dma_start3A_1235 = tpu.memref_squeeze %dma_start3A_1234 : memref<1x1x128x64xf32, #tpu.memory_space<vmem>> -> memref<128x64xf32, #tpu.memory_space<vmem>>
      tpu.enqueue_dma source(%dma_start3A_1235 : memref<128x64xf32, #tpu.memory_space<vmem>>) target(%dma_start3A_1231 : memref<128x64xf32, #tpu.memory_space<hbm>>) target_semaphore(%arg9 : memref<!tpu.dma_semaphore, #tpu.memory_space<semaphore_mem>>)
      %mul3A_1236 = arith.constant 200 : i32
      %mul3A_1237 = arith.muli %add3A, %mul3A_1236 : i32
      %mul3A_1238 = arith.constant 5 : i32
      %mul3A_1239 = arith.muli %add3A_1109, %mul3A_1238 : i32
      %add3A_1240 = arith.addi %mul3A_1237, %mul3A_1239 : i32
      %add3A_1241 = arith.constant 2 : i32
      %add3A_1242 = arith.addi %add3A_1240, %add3A_1241 : i32
      %mul3A_1243 = arith.constant 128 : i32
      %mul3A_1244 = arith.muli %add3A_1242, %mul3A_1243 : i32
      %dma_start3A_1245 = arith.constant 0 : i32
      %dma_start3A_1246 = arith.constant 2 : i32
      %dma_start3A_1247 = arith.constant 0 : i32
      %dma_start3A_1248 = arith.constant 0 : i32
      %dma_start3A_1249 = tpu.memref_slice %arg6[%dma_start3A_1245, %dma_start3A_1246, %dma_start3A_1247, %dma_start3A_1248] : memref<2x5x128x64xf32, #tpu.memory_space<vmem>> -> memref<1x1x128x64xf32, #tpu.memory_space<vmem>>
      %dma_start3A_1250 = tpu.memref_squeeze %dma_start3A_1249 : memref<1x1x128x64xf32, #tpu.memory_space<vmem>> -> memref<128x64xf32, #tpu.memory_space<vmem>>
      %dma_start3A_1251 = arith.constant 0 : i32
      %dma_start3A_1252 = tpu.memref_slice %arg4[%mul3A_1244, %dma_start3A_1251] : memref<819200x64xf32, #tpu.memory_space<hbm>> -> memref<128x64xf32, #tpu.memory_space<hbm>>
      %dma_start3A_1253 = arith.constant 0 : i32
      %dma_start3A_1254 = tpu.memref_slice %arg4[%mul3A_1244, %dma_start3A_1253] : memref<819200x64xf32, #tpu.memory_space<hbm>> -> memref<128x64xf32, #tpu.memory_space<hbm>>
      %dma_start3A_1255 = arith.constant 0 : i32
      %dma_start3A_1256 = arith.constant 0 : i32
      %dma_start3A_1257 = tpu.memref_slice %arg6[%dma_start3A_1245, %dma_start3A_1246, %dma_start3A_1255, %dma_start3A_1256] : memref<2x5x128x64xf32, #tpu.memory_space<vmem>> -> memref<1x1x128x64xf32, #tpu.memory_space<vmem>>
      %dma_start3A_1258 = tpu.memref_squeeze %dma_start3A_1257 : memref<1x1x128x64xf32, #tpu.memory_space<vmem>> -> memref<128x64xf32, #tpu.memory_space<vmem>>
      tpu.enqueue_dma source(%dma_start3A_1258 : memref<128x64xf32, #tpu.memory_space<vmem>>) target(%dma_start3A_1254 : memref<128x64xf32, #tpu.memory_space<hbm>>) target_semaphore(%arg9 : memref<!tpu.dma_semaphore, #tpu.memory_space<semaphore_mem>>)
      %mul3A_1259 = arith.constant 200 : i32
      %mul3A_1260 = arith.muli %add3A, %mul3A_1259 : i32
      %mul3A_1261 = arith.constant 5 : i32
      %mul3A_1262 = arith.muli %add3A_1109, %mul3A_1261 : i32
      %add3A_1263 = arith.addi %mul3A_1260, %mul3A_1262 : i32
      %add3A_1264 = arith.constant 3 : i32
      %add3A_1265 = arith.addi %add3A_1263, %add3A_1264 : i32
      %mul3A_1266 = arith.constant 128 : i32
      %mul3A_1267 = arith.muli %add3A_1265, %mul3A_1266 : i32
      %dma_start3A_1268 = arith.constant 0 : i32
      %dma_start3A_1269 = arith.constant 3 : i32
      %dma_start3A_1270 = arith.constant 0 : i32
      %dma_start3A_1271 = arith.constant 0 : i32
      %dma_start3A_1272 = tpu.memref_slice %arg6[%dma_start3A_1268, %dma_start3A_1269, %dma_start3A_1270, %dma_start3A_1271] : memref<2x5x128x64xf32, #tpu.memory_space<vmem>> -> memref<1x1x128x64xf32, #tpu.memory_space<vmem>>
      %dma_start3A_1273 = tpu.memref_squeeze %dma_start3A_1272 : memref<1x1x128x64xf32, #tpu.memory_space<vmem>> -> memref<128x64xf32, #tpu.memory_space<vmem>>
      %dma_start3A_1274 = arith.constant 0 : i32
      %dma_start3A_1275 = tpu.memref_slice %arg4[%mul3A_1267, %dma_start3A_1274] : memref<819200x64xf32, #tpu.memory_space<hbm>> -> memref<128x64xf32, #tpu.memory_space<hbm>>
      %dma_start3A_1276 = arith.constant 0 : i32
      %dma_start3A_1277 = tpu.memref_slice %arg4[%mul3A_1267, %dma_start3A_1276] : memref<819200x64xf32, #tpu.memory_space<hbm>> -> memref<128x64xf32, #tpu.memory_space<hbm>>
      %dma_start3A_1278 = arith.constant 0 : i32
      %dma_start3A_1279 = arith.constant 0 : i32
      %dma_start3A_1280 = tpu.memref_slice %arg6[%dma_start3A_1268, %dma_start3A_1269, %dma_start3A_1278, %dma_start3A_1279] : memref<2x5x128x64xf32, #tpu.memory_space<vmem>> -> memref<1x1x128x64xf32, #tpu.memory_space<vmem>>
      %dma_start3A_1281 = tpu.memref_squeeze %dma_start3A_1280 : memref<1x1x128x64xf32, #tpu.memory_space<vmem>> -> memref<128x64xf32, #tpu.memory_space<vmem>>
      tpu.enqueue_dma source(%dma_start3A_1281 : memref<128x64xf32, #tpu.memory_space<vmem>>) target(%dma_start3A_1277 : memref<128x64xf32, #tpu.memory_space<hbm>>) target_semaphore(%arg9 : memref<!tpu.dma_semaphore, #tpu.memory_space<semaphore_mem>>)
      %mul3A_1282 = arith.constant 200 : i32
      %mul3A_1283 = arith.muli %add3A, %mul3A_1282 : i32
      %mul3A_1284 = arith.constant 5 : i32
      %mul3A_1285 = arith.muli %add3A_1109, %mul3A_1284 : i32
      %add3A_1286 = arith.addi %mul3A_1283, %mul3A_1285 : i32
      %add3A_1287 = arith.constant 4 : i32
      %add3A_1288 = arith.addi %add3A_1286, %add3A_1287 : i32
      %mul3A_1289 = arith.constant 128 : i32
      %mul3A_1290 = arith.muli %add3A_1288, %mul3A_1289 : i32
      %dma_start3A_1291 = arith.constant 0 : i32
      %dma_start3A_1292 = arith.constant 4 : i32
      %dma_start3A_1293 = arith.constant 0 : i32
      %dma_start3A_1294 = arith.constant 0 : i32
      %dma_start3A_1295 = tpu.memref_slice %arg6[%dma_start3A_1291, %dma_start3A_1292, %dma_start3A_1293, %dma_start3A_1294] : memref<2x5x128x64xf32, #tpu.memory_space<vmem>> -> memref<1x1x128x64xf32, #tpu.memory_space<vmem>>
      %dma_start3A_1296 = tpu.memref_squeeze %dma_start3A_1295 : memref<1x1x128x64xf32, #tpu.memory_space<vmem>> -> memref<128x64xf32, #tpu.memory_space<vmem>>
      %dma_start3A_1297 = arith.constant 0 : i32
      %dma_start3A_1298 = tpu.memref_slice %arg4[%mul3A_1290, %dma_start3A_1297] : memref<819200x64xf32, #tpu.memory_space<hbm>> -> memref<128x64xf32, #tpu.memory_space<hbm>>
      %dma_start3A_1299 = arith.constant 0 : i32
      %dma_start3A_1300 = tpu.memref_slice %arg4[%mul3A_1290, %dma_start3A_1299] : memref<819200x64xf32, #tpu.memory_space<hbm>> -> memref<128x64xf32, #tpu.memory_space<hbm>>
      %dma_start3A_1301 = arith.constant 0 : i32
      %dma_start3A_1302 = arith.constant 0 : i32
      %dma_start3A_1303 = tpu.memref_slice %arg6[%dma_start3A_1291, %dma_start3A_1292, %dma_start3A_1301, %dma_start3A_1302] : memref<2x5x128x64xf32, #tpu.memory_space<vmem>> -> memref<1x1x128x64xf32, #tpu.memory_space<vmem>>
      %dma_start3A_1304 = tpu.memref_squeeze %dma_start3A_1303 : memref<1x1x128x64xf32, #tpu.memory_space<vmem>> -> memref<128x64xf32, #tpu.memory_space<vmem>>
      tpu.enqueue_dma source(%dma_start3A_1304 : memref<128x64xf32, #tpu.memory_space<vmem>>) target(%dma_start3A_1300 : memref<128x64xf32, #tpu.memory_space<hbm>>) target_semaphore(%arg9 : memref<!tpu.dma_semaphore, #tpu.memory_space<semaphore_mem>>)
      %sub3A_1305 = arith.constant 1 : i32
      %sub3A_1306 = arith.subi %add3A_1109, %sub3A_1305 : i32
      %mul3A_1307 = arith.constant 200 : i32
      %mul3A_1308 = arith.muli %add3A, %mul3A_1307 : i32
      %mul3A_1309 = arith.constant 5 : i32
      %mul3A_1310 = arith.muli %sub3A_1306, %mul3A_1309 : i32
      %add3A_1311 = arith.addi %mul3A_1308, %mul3A_1310 : i32
      %add3A_1312 = arith.constant 0 : i32
      %add3A_1313 = arith.addi %add3A_1311, %add3A_1312 : i32
      %mul3A_1314 = arith.constant 128 : i32
      %mul3A_1315 = arith.muli %add3A_1313, %mul3A_1314 : i32
      %dma_wait3A_1316 = arith.constant 1 : i32
      %dma_wait3A_1317 = arith.constant 0 : i32
      %dma_wait3A_1318 = arith.constant 0 : i32
      %dma_wait3A_1319 = arith.constant 0 : i32
      %dma_wait3A_1320 = tpu.memref_slice %arg6[%dma_wait3A_1316, %dma_wait3A_1317, %dma_wait3A_1318, %dma_wait3A_1319] : memref<2x5x128x64xf32, #tpu.memory_space<vmem>> -> memref<1x1x128x64xf32, #tpu.memory_space<vmem>>
      %dma_wait3A_1321 = tpu.memref_squeeze %dma_wait3A_1320 : memref<1x1x128x64xf32, #tpu.memory_space<vmem>> -> memref<128x64xf32, #tpu.memory_space<vmem>>
      %dma_wait3A_1322 = arith.constant 0 : i32
      %dma_wait3A_1323 = tpu.memref_slice %arg4[%mul3A_1315, %dma_wait3A_1322] : memref<819200x64xf32, #tpu.memory_space<hbm>> -> memref<128x64xf32, #tpu.memory_space<hbm>>
      %dma_wait3A_1324 = arith.constant 0 : i32
      %dma_wait3A_1325 = tpu.memref_slice %arg4[%mul3A_1315, %dma_wait3A_1324] : memref<819200x64xf32, #tpu.memory_space<hbm>> -> memref<128x64xf32, #tpu.memory_space<hbm>>
      %dma_wait3A_1326 = arith.constant 0 : i32
      %dma_wait3A_1327 = arith.constant 0 : i32
      %dma_wait3A_1328 = tpu.memref_slice %arg6[%dma_wait3A_1316, %dma_wait3A_1317, %dma_wait3A_1326, %dma_wait3A_1327] : memref<2x5x128x64xf32, #tpu.memory_space<vmem>> -> memref<1x1x128x64xf32, #tpu.memory_space<vmem>>
      %dma_wait3A_1329 = tpu.memref_squeeze %dma_wait3A_1328 : memref<1x1x128x64xf32, #tpu.memory_space<vmem>> -> memref<128x64xf32, #tpu.memory_space<vmem>>
      tpu.wait_dma2 semaphore(%arg10 : memref<!tpu.dma_semaphore, #tpu.memory_space<semaphore_mem>>) src(%dma_wait3A_1329 : memref<128x64xf32, #tpu.memory_space<vmem>>) dst(%dma_wait3A_1325 : memref<128x64xf32, #tpu.memory_space<hbm>>)
      %mul3A_1330 = arith.constant 200 : i32
      %mul3A_1331 = arith.muli %add3A, %mul3A_1330 : i32
      %mul3A_1332 = arith.constant 5 : i32
      %mul3A_1333 = arith.muli %sub3A_1306, %mul3A_1332 : i32
      %add3A_1334 = arith.addi %mul3A_1331, %mul3A_1333 : i32
      %add3A_1335 = arith.constant 1 : i32
      %add3A_1336 = arith.addi %add3A_1334, %add3A_1335 : i32
      %mul3A_1337 = arith.constant 128 : i32
      %mul3A_1338 = arith.muli %add3A_1336, %mul3A_1337 : i32
      %dma_wait3A_1339 = arith.constant 1 : i32
      %dma_wait3A_1340 = arith.constant 1 : i32
      %dma_wait3A_1341 = arith.constant 0 : i32
      %dma_wait3A_1342 = arith.constant 0 : i32
      %dma_wait3A_1343 = tpu.memref_slice %arg6[%dma_wait3A_1339, %dma_wait3A_1340, %dma_wait3A_1341, %dma_wait3A_1342] : memref<2x5x128x64xf32, #tpu.memory_space<vmem>> -> memref<1x1x128x64xf32, #tpu.memory_space<vmem>>
      %dma_wait3A_1344 = tpu.memref_squeeze %dma_wait3A_1343 : memref<1x1x128x64xf32, #tpu.memory_space<vmem>> -> memref<128x64xf32, #tpu.memory_space<vmem>>
      %dma_wait3A_1345 = arith.constant 0 : i32
      %dma_wait3A_1346 = tpu.memref_slice %arg4[%mul3A_1338, %dma_wait3A_1345] : memref<819200x64xf32, #tpu.memory_space<hbm>> -> memref<128x64xf32, #tpu.memory_space<hbm>>
      %dma_wait3A_1347 = arith.constant 0 : i32
      %dma_wait3A_1348 = tpu.memref_slice %arg4[%mul3A_1338, %dma_wait3A_1347] : memref<819200x64xf32, #tpu.memory_space<hbm>> -> memref<128x64xf32, #tpu.memory_space<hbm>>
      %dma_wait3A_1349 = arith.constant 0 : i32
      %dma_wait3A_1350 = arith.constant 0 : i32
      %dma_wait3A_1351 = tpu.memref_slice %arg6[%dma_wait3A_1339, %dma_wait3A_1340, %dma_wait3A_1349, %dma_wait3A_1350] : memref<2x5x128x64xf32, #tpu.memory_space<vmem>> -> memref<1x1x128x64xf32, #tpu.memory_space<vmem>>
      %dma_wait3A_1352 = tpu.memref_squeeze %dma_wait3A_1351 : memref<1x1x128x64xf32, #tpu.memory_space<vmem>> -> memref<128x64xf32, #tpu.memory_space<vmem>>
      tpu.wait_dma2 semaphore(%arg10 : memref<!tpu.dma_semaphore, #tpu.memory_space<semaphore_mem>>) src(%dma_wait3A_1352 : memref<128x64xf32, #tpu.memory_space<vmem>>) dst(%dma_wait3A_1348 : memref<128x64xf32, #tpu.memory_space<hbm>>)
      %mul3A_1353 = arith.constant 200 : i32
      %mul3A_1354 = arith.muli %add3A, %mul3A_1353 : i32
      %mul3A_1355 = arith.constant 5 : i32
      %mul3A_1356 = arith.muli %sub3A_1306, %mul3A_1355 : i32
      %add3A_1357 = arith.addi %mul3A_1354, %mul3A_1356 : i32
      %add3A_1358 = arith.constant 2 : i32
      %add3A_1359 = arith.addi %add3A_1357, %add3A_1358 : i32
      %mul3A_1360 = arith.constant 128 : i32
      %mul3A_1361 = arith.muli %add3A_1359, %mul3A_1360 : i32
      %dma_wait3A_1362 = arith.constant 1 : i32
      %dma_wait3A_1363 = arith.constant 2 : i32
      %dma_wait3A_1364 = arith.constant 0 : i32
      %dma_wait3A_1365 = arith.constant 0 : i32
      %dma_wait3A_1366 = tpu.memref_slice %arg6[%dma_wait3A_1362, %dma_wait3A_1363, %dma_wait3A_1364, %dma_wait3A_1365] : memref<2x5x128x64xf32, #tpu.memory_space<vmem>> -> memref<1x1x128x64xf32, #tpu.memory_space<vmem>>
      %dma_wait3A_1367 = tpu.memref_squeeze %dma_wait3A_1366 : memref<1x1x128x64xf32, #tpu.memory_space<vmem>> -> memref<128x64xf32, #tpu.memory_space<vmem>>
      %dma_wait3A_1368 = arith.constant 0 : i32
      %dma_wait3A_1369 = tpu.memref_slice %arg4[%mul3A_1361, %dma_wait3A_1368] : memref<819200x64xf32, #tpu.memory_space<hbm>> -> memref<128x64xf32, #tpu.memory_space<hbm>>
      %dma_wait3A_1370 = arith.constant 0 : i32
      %dma_wait3A_1371 = tpu.memref_slice %arg4[%mul3A_1361, %dma_wait3A_1370] : memref<819200x64xf32, #tpu.memory_space<hbm>> -> memref<128x64xf32, #tpu.memory_space<hbm>>
      %dma_wait3A_1372 = arith.constant 0 : i32
      %dma_wait3A_1373 = arith.constant 0 : i32
      %dma_wait3A_1374 = tpu.memref_slice %arg6[%dma_wait3A_1362, %dma_wait3A_1363, %dma_wait3A_1372, %dma_wait3A_1373] : memref<2x5x128x64xf32, #tpu.memory_space<vmem>> -> memref<1x1x128x64xf32, #tpu.memory_space<vmem>>
      %dma_wait3A_1375 = tpu.memref_squeeze %dma_wait3A_1374 : memref<1x1x128x64xf32, #tpu.memory_space<vmem>> -> memref<128x64xf32, #tpu.memory_space<vmem>>
      tpu.wait_dma2 semaphore(%arg10 : memref<!tpu.dma_semaphore, #tpu.memory_space<semaphore_mem>>) src(%dma_wait3A_1375 : memref<128x64xf32, #tpu.memory_space<vmem>>) dst(%dma_wait3A_1371 : memref<128x64xf32, #tpu.memory_space<hbm>>)
      %mul3A_1376 = arith.constant 200 : i32
      %mul3A_1377 = arith.muli %add3A, %mul3A_1376 : i32
      %mul3A_1378 = arith.constant 5 : i32
      %mul3A_1379 = arith.muli %sub3A_1306, %mul3A_1378 : i32
      %add3A_1380 = arith.addi %mul3A_1377, %mul3A_1379 : i32
      %add3A_1381 = arith.constant 3 : i32
      %add3A_1382 = arith.addi %add3A_1380, %add3A_1381 : i32
      %mul3A_1383 = arith.constant 128 : i32
      %mul3A_1384 = arith.muli %add3A_1382, %mul3A_1383 : i32
      %dma_wait3A_1385 = arith.constant 1 : i32
      %dma_wait3A_1386 = arith.constant 3 : i32
      %dma_wait3A_1387 = arith.constant 0 : i32
      %dma_wait3A_1388 = arith.constant 0 : i32
      %dma_wait3A_1389 = tpu.memref_slice %arg6[%dma_wait3A_1385, %dma_wait3A_1386, %dma_wait3A_1387, %dma_wait3A_1388] : memref<2x5x128x64xf32, #tpu.memory_space<vmem>> -> memref<1x1x128x64xf32, #tpu.memory_space<vmem>>
      %dma_wait3A_1390 = tpu.memref_squeeze %dma_wait3A_1389 : memref<1x1x128x64xf32, #tpu.memory_space<vmem>> -> memref<128x64xf32, #tpu.memory_space<vmem>>
      %dma_wait3A_1391 = arith.constant 0 : i32
      %dma_wait3A_1392 = tpu.memref_slice %arg4[%mul3A_1384, %dma_wait3A_1391] : memref<819200x64xf32, #tpu.memory_space<hbm>> -> memref<128x64xf32, #tpu.memory_space<hbm>>
      %dma_wait3A_1393 = arith.constant 0 : i32
      %dma_wait3A_1394 = tpu.memref_slice %arg4[%mul3A_1384, %dma_wait3A_1393] : memref<819200x64xf32, #tpu.memory_space<hbm>> -> memref<128x64xf32, #tpu.memory_space<hbm>>
      %dma_wait3A_1395 = arith.constant 0 : i32
      %dma_wait3A_1396 = arith.constant 0 : i32
      %dma_wait3A_1397 = tpu.memref_slice %arg6[%dma_wait3A_1385, %dma_wait3A_1386, %dma_wait3A_1395, %dma_wait3A_1396] : memref<2x5x128x64xf32, #tpu.memory_space<vmem>> -> memref<1x1x128x64xf32, #tpu.memory_space<vmem>>
      %dma_wait3A_1398 = tpu.memref_squeeze %dma_wait3A_1397 : memref<1x1x128x64xf32, #tpu.memory_space<vmem>> -> memref<128x64xf32, #tpu.memory_space<vmem>>
      tpu.wait_dma2 semaphore(%arg10 : memref<!tpu.dma_semaphore, #tpu.memory_space<semaphore_mem>>) src(%dma_wait3A_1398 : memref<128x64xf32, #tpu.memory_space<vmem>>) dst(%dma_wait3A_1394 : memref<128x64xf32, #tpu.memory_space<hbm>>)
      %mul3A_1399 = arith.constant 200 : i32
      %mul3A_1400 = arith.muli %add3A, %mul3A_1399 : i32
      %mul3A_1401 = arith.constant 5 : i32
      %mul3A_1402 = arith.muli %sub3A_1306, %mul3A_1401 : i32
      %add3A_1403 = arith.addi %mul3A_1400, %mul3A_1402 : i32
      %add3A_1404 = arith.constant 4 : i32
      %add3A_1405 = arith.addi %add3A_1403, %add3A_1404 : i32
      %mul3A_1406 = arith.constant 128 : i32
      %mul3A_1407 = arith.muli %add3A_1405, %mul3A_1406 : i32
      %dma_wait3A_1408 = arith.constant 1 : i32
      %dma_wait3A_1409 = arith.constant 4 : i32
      %dma_wait3A_1410 = arith.constant 0 : i32
      %dma_wait3A_1411 = arith.constant 0 : i32
      %dma_wait3A_1412 = tpu.memref_slice %arg6[%dma_wait3A_1408, %dma_wait3A_1409, %dma_wait3A_1410, %dma_wait3A_1411] : memref<2x5x128x64xf32, #tpu.memory_space<vmem>> -> memref<1x1x128x64xf32, #tpu.memory_space<vmem>>
      %dma_wait3A_1413 = tpu.memref_squeeze %dma_wait3A_1412 : memref<1x1x128x64xf32, #tpu.memory_space<vmem>> -> memref<128x64xf32, #tpu.memory_space<vmem>>
      %dma_wait3A_1414 = arith.constant 0 : i32
      %dma_wait3A_1415 = tpu.memref_slice %arg4[%mul3A_1407, %dma_wait3A_1414] : memref<819200x64xf32, #tpu.memory_space<hbm>> -> memref<128x64xf32, #tpu.memory_space<hbm>>
      %dma_wait3A_1416 = arith.constant 0 : i32
      %dma_wait3A_1417 = tpu.memref_slice %arg4[%mul3A_1407, %dma_wait3A_1416] : memref<819200x64xf32, #tpu.memory_space<hbm>> -> memref<128x64xf32, #tpu.memory_space<hbm>>
      %dma_wait3A_1418 = arith.constant 0 : i32
      %dma_wait3A_1419 = arith.constant 0 : i32
      %dma_wait3A_1420 = tpu.memref_slice %arg6[%dma_wait3A_1408, %dma_wait3A_1409, %dma_wait3A_1418, %dma_wait3A_1419] : memref<2x5x128x64xf32, #tpu.memory_space<vmem>> -> memref<1x1x128x64xf32, #tpu.memory_space<vmem>>
      %dma_wait3A_1421 = tpu.memref_squeeze %dma_wait3A_1420 : memref<1x1x128x64xf32, #tpu.memory_space<vmem>> -> memref<128x64xf32, #tpu.memory_space<vmem>>
      tpu.wait_dma2 semaphore(%arg10 : memref<!tpu.dma_semaphore, #tpu.memory_space<semaphore_mem>>) src(%dma_wait3A_1421 : memref<128x64xf32, #tpu.memory_space<vmem>>) dst(%dma_wait3A_1417 : memref<128x64xf32, #tpu.memory_space<hbm>>)
      %add3A_1422 = arith.constant 1 : i32
      %add3A_1423 = arith.addi %add3A_1109, %add3A_1422 : i32
      %mul3A_1424 = arith.constant 5 : i32
      %mul3A_1425 = arith.muli %add3A_1423, %mul3A_1424 : i32
      %add3A_1426 = arith.constant 0 : i32
      %add3A_1427 = arith.addi %mul3A_1425, %add3A_1426 : i32
      %dma_start3A_1428 = arith.constant 1 : i32
      %dma_start3A_1429 = arith.constant 0 : i32
      %dma_start3A_1430 = arith.constant 0 : i32
      %dma_start3A_1431 = arith.constant 0 : i32
      %dma_start3A_1432 = tpu.memref_slice %arg6[%dma_start3A_1428, %dma_start3A_1429, %dma_start3A_1430, %dma_start3A_1431] : memref<2x5x128x64xf32, #tpu.memory_space<vmem>> -> memref<1x1x128x64xf32, #tpu.memory_space<vmem>>
      %dma_start3A_1433 = tpu.memref_squeeze %dma_start3A_1432 : memref<1x1x128x64xf32, #tpu.memory_space<vmem>> -> memref<128x64xf32, #tpu.memory_space<vmem>>
      %dma_start3A_1434 = arith.constant 0 : i32
      %dma_start3A_1435 = tpu.memref_slice %arg5[%add3A_1427, %dma_start3A_1434] : memref<200x128xi32, #tpu.memory_space<vmem>> -> memref<1x128xi32, #tpu.memory_space<vmem>>
      %dma_start3A_1436 = tpu.memref_squeeze %dma_start3A_1435 : memref<1x128xi32, #tpu.memory_space<vmem>> -> memref<128xi32, #tpu.memory_space<vmem>>
      %dma_start3A_1437 = arith.constant 0 : i32
      %dma_start3A_1438 = arith.constant 0 : i32
      %dma_start3A_1439 = tpu.memref_slice %arg3[%dma_start3A_1437, %dma_start3A_1438] : memref<1000000x64xf32, #tpu.memory_space<hbm>> -> memref<1000000x64xf32, #tpu.memory_space<hbm>>
      tpu.enqueue_indirect_dma source(%dma_start3A_1439 : memref<1000000x64xf32, #tpu.memory_space<hbm>>) target(%dma_start3A_1433 : memref<128x64xf32, #tpu.memory_space<vmem>>) offsets(%dma_start3A_1436 : memref<128xi32, #tpu.memory_space<vmem>>) semaphore(%arg8 : memref<!tpu.dma_semaphore, #tpu.memory_space<semaphore_mem>>)
      %mul3A_1440 = arith.constant 5 : i32
      %mul3A_1441 = arith.muli %add3A_1423, %mul3A_1440 : i32
      %add3A_1442 = arith.constant 1 : i32
      %add3A_1443 = arith.addi %mul3A_1441, %add3A_1442 : i32
      %dma_start3A_1444 = arith.constant 1 : i32
      %dma_start3A_1445 = arith.constant 1 : i32
      %dma_start3A_1446 = arith.constant 0 : i32
      %dma_start3A_1447 = arith.constant 0 : i32
      %dma_start3A_1448 = tpu.memref_slice %arg6[%dma_start3A_1444, %dma_start3A_1445, %dma_start3A_1446, %dma_start3A_1447] : memref<2x5x128x64xf32, #tpu.memory_space<vmem>> -> memref<1x1x128x64xf32, #tpu.memory_space<vmem>>
      %dma_start3A_1449 = tpu.memref_squeeze %dma_start3A_1448 : memref<1x1x128x64xf32, #tpu.memory_space<vmem>> -> memref<128x64xf32, #tpu.memory_space<vmem>>
      %dma_start3A_1450 = arith.constant 0 : i32
      %dma_start3A_1451 = tpu.memref_slice %arg5[%add3A_1443, %dma_start3A_1450] : memref<200x128xi32, #tpu.memory_space<vmem>> -> memref<1x128xi32, #tpu.memory_space<vmem>>
      %dma_start3A_1452 = tpu.memref_squeeze %dma_start3A_1451 : memref<1x128xi32, #tpu.memory_space<vmem>> -> memref<128xi32, #tpu.memory_space<vmem>>
      %dma_start3A_1453 = arith.constant 0 : i32
      %dma_start3A_1454 = arith.constant 0 : i32
      %dma_start3A_1455 = tpu.memref_slice %arg3[%dma_start3A_1453, %dma_start3A_1454] : memref<1000000x64xf32, #tpu.memory_space<hbm>> -> memref<1000000x64xf32, #tpu.memory_space<hbm>>
      tpu.enqueue_indirect_dma source(%dma_start3A_1455 : memref<1000000x64xf32, #tpu.memory_space<hbm>>) target(%dma_start3A_1449 : memref<128x64xf32, #tpu.memory_space<vmem>>) offsets(%dma_start3A_1452 : memref<128xi32, #tpu.memory_space<vmem>>) semaphore(%arg8 : memref<!tpu.dma_semaphore, #tpu.memory_space<semaphore_mem>>)
      %mul3A_1456 = arith.constant 5 : i32
      %mul3A_1457 = arith.muli %add3A_1423, %mul3A_1456 : i32
      %add3A_1458 = arith.constant 2 : i32
      %add3A_1459 = arith.addi %mul3A_1457, %add3A_1458 : i32
      %dma_start3A_1460 = arith.constant 1 : i32
      %dma_start3A_1461 = arith.constant 2 : i32
      %dma_start3A_1462 = arith.constant 0 : i32
      %dma_start3A_1463 = arith.constant 0 : i32
      %dma_start3A_1464 = tpu.memref_slice %arg6[%dma_start3A_1460, %dma_start3A_1461, %dma_start3A_1462, %dma_start3A_1463] : memref<2x5x128x64xf32, #tpu.memory_space<vmem>> -> memref<1x1x128x64xf32, #tpu.memory_space<vmem>>
      %dma_start3A_1465 = tpu.memref_squeeze %dma_start3A_1464 : memref<1x1x128x64xf32, #tpu.memory_space<vmem>> -> memref<128x64xf32, #tpu.memory_space<vmem>>
      %dma_start3A_1466 = arith.constant 0 : i32
      %dma_start3A_1467 = tpu.memref_slice %arg5[%add3A_1459, %dma_start3A_1466] : memref<200x128xi32, #tpu.memory_space<vmem>> -> memref<1x128xi32, #tpu.memory_space<vmem>>
      %dma_start3A_1468 = tpu.memref_squeeze %dma_start3A_1467 : memref<1x128xi32, #tpu.memory_space<vmem>> -> memref<128xi32, #tpu.memory_space<vmem>>
      %dma_start3A_1469 = arith.constant 0 : i32
      %dma_start3A_1470 = arith.constant 0 : i32
      %dma_start3A_1471 = tpu.memref_slice %arg3[%dma_start3A_1469, %dma_start3A_1470] : memref<1000000x64xf32, #tpu.memory_space<hbm>> -> memref<1000000x64xf32, #tpu.memory_space<hbm>>
      tpu.enqueue_indirect_dma source(%dma_start3A_1471 : memref<1000000x64xf32, #tpu.memory_space<hbm>>) target(%dma_start3A_1465 : memref<128x64xf32, #tpu.memory_space<vmem>>) offsets(%dma_start3A_1468 : memref<128xi32, #tpu.memory_space<vmem>>) semaphore(%arg8 : memref<!tpu.dma_semaphore, #tpu.memory_space<semaphore_mem>>)
      %mul3A_1472 = arith.constant 5 : i32
      %mul3A_1473 = arith.muli %add3A_1423, %mul3A_1472 : i32
      %add3A_1474 = arith.constant 3 : i32
      %add3A_1475 = arith.addi %mul3A_1473, %add3A_1474 : i32
      %dma_start3A_1476 = arith.constant 1 : i32
      %dma_start3A_1477 = arith.constant 3 : i32
      %dma_start3A_1478 = arith.constant 0 : i32
      %dma_start3A_1479 = arith.constant 0 : i32
      %dma_start3A_1480 = tpu.memref_slice %arg6[%dma_start3A_1476, %dma_start3A_1477, %dma_start3A_1478, %dma_start3A_1479] : memref<2x5x128x64xf32, #tpu.memory_space<vmem>> -> memref<1x1x128x64xf32, #tpu.memory_space<vmem>>
      %dma_start3A_1481 = tpu.memref_squeeze %dma_start3A_1480 : memref<1x1x128x64xf32, #tpu.memory_space<vmem>> -> memref<128x64xf32, #tpu.memory_space<vmem>>
      %dma_start3A_1482 = arith.constant 0 : i32
      %dma_start3A_1483 = tpu.memref_slice %arg5[%add3A_1475, %dma_start3A_1482] : memref<200x128xi32, #tpu.memory_space<vmem>> -> memref<1x128xi32, #tpu.memory_space<vmem>>
      %dma_start3A_1484 = tpu.memref_squeeze %dma_start3A_1483 : memref<1x128xi32, #tpu.memory_space<vmem>> -> memref<128xi32, #tpu.memory_space<vmem>>
      %dma_start3A_1485 = arith.constant 0 : i32
      %dma_start3A_1486 = arith.constant 0 : i32
      %dma_start3A_1487 = tpu.memref_slice %arg3[%dma_start3A_1485, %dma_start3A_1486] : memref<1000000x64xf32, #tpu.memory_space<hbm>> -> memref<1000000x64xf32, #tpu.memory_space<hbm>>
      tpu.enqueue_indirect_dma source(%dma_start3A_1487 : memref<1000000x64xf32, #tpu.memory_space<hbm>>) target(%dma_start3A_1481 : memref<128x64xf32, #tpu.memory_space<vmem>>) offsets(%dma_start3A_1484 : memref<128xi32, #tpu.memory_space<vmem>>) semaphore(%arg8 : memref<!tpu.dma_semaphore, #tpu.memory_space<semaphore_mem>>)
      %mul3A_1488 = arith.constant 5 : i32
      %mul3A_1489 = arith.muli %add3A_1423, %mul3A_1488 : i32
      %add3A_1490 = arith.constant 4 : i32
      %add3A_1491 = arith.addi %mul3A_1489, %add3A_1490 : i32
      %dma_start3A_1492 = arith.constant 1 : i32
      %dma_start3A_1493 = arith.constant 4 : i32
      %dma_start3A_1494 = arith.constant 0 : i32
      %dma_start3A_1495 = arith.constant 0 : i32
      %dma_start3A_1496 = tpu.memref_slice %arg6[%dma_start3A_1492, %dma_start3A_1493, %dma_start3A_1494, %dma_start3A_1495] : memref<2x5x128x64xf32, #tpu.memory_space<vmem>> -> memref<1x1x128x64xf32, #tpu.memory_space<vmem>>
      %dma_start3A_1497 = tpu.memref_squeeze %dma_start3A_1496 : memref<1x1x128x64xf32, #tpu.memory_space<vmem>> -> memref<128x64xf32, #tpu.memory_space<vmem>>
      %dma_start3A_1498 = arith.constant 0 : i32
      %dma_start3A_1499 = tpu.memref_slice %arg5[%add3A_1491, %dma_start3A_1498] : memref<200x128xi32, #tpu.memory_space<vmem>> -> memref<1x128xi32, #tpu.memory_space<vmem>>
      %dma_start3A_1500 = tpu.memref_squeeze %dma_start3A_1499 : memref<1x128xi32, #tpu.memory_space<vmem>> -> memref<128xi32, #tpu.memory_space<vmem>>
      %dma_start3A_1501 = arith.constant 0 : i32
      %dma_start3A_1502 = arith.constant 0 : i32
      %dma_start3A_1503 = tpu.memref_slice %arg3[%dma_start3A_1501, %dma_start3A_1502] : memref<1000000x64xf32, #tpu.memory_space<hbm>> -> memref<1000000x64xf32, #tpu.memory_space<hbm>>
      tpu.enqueue_indirect_dma source(%dma_start3A_1503 : memref<1000000x64xf32, #tpu.memory_space<hbm>>) target(%dma_start3A_1497 : memref<128x64xf32, #tpu.memory_space<vmem>>) offsets(%dma_start3A_1500 : memref<128xi32, #tpu.memory_space<vmem>>) semaphore(%arg8 : memref<!tpu.dma_semaphore, #tpu.memory_space<semaphore_mem>>)
    }
    %scan3A_308 = arith.constant 19 : i32
    %dma_wait3A_309 = arith.constant 195 : i32
    %dma_wait3A_310 = arith.constant 1 : i32
    %dma_wait3A_311 = arith.constant 0 : i32
    %dma_wait3A_312 = arith.constant 0 : i32
    %dma_wait3A_313 = arith.constant 0 : i32
    %dma_wait3A_314 = tpu.memref_slice %arg6[%dma_wait3A_310, %dma_wait3A_311, %dma_wait3A_312, %dma_wait3A_313] : memref<2x5x128x64xf32, #tpu.memory_space<vmem>> -> memref<1x1x128x64xf32, #tpu.memory_space<vmem>>
    %dma_wait3A_315 = tpu.memref_squeeze %dma_wait3A_314 : memref<1x1x128x64xf32, #tpu.memory_space<vmem>> -> memref<128x64xf32, #tpu.memory_space<vmem>>
    %dma_wait3A_316 = arith.constant 0 : i32
    %dma_wait3A_317 = tpu.memref_slice %arg5[%dma_wait3A_309, %dma_wait3A_316] : memref<200x128xi32, #tpu.memory_space<vmem>> -> memref<1x128xi32, #tpu.memory_space<vmem>>
    %dma_wait3A_318 = tpu.memref_squeeze %dma_wait3A_317 : memref<1x128xi32, #tpu.memory_space<vmem>> -> memref<128xi32, #tpu.memory_space<vmem>>
    %dma_wait3A_319 = arith.constant 0 : i32
    %dma_wait3A_320 = arith.constant 0 : i32
    %dma_wait3A_321 = tpu.memref_slice %arg3[%dma_wait3A_319, %dma_wait3A_320] : memref<1000000x64xf32, #tpu.memory_space<hbm>> -> memref<1000000x64xf32, #tpu.memory_space<hbm>>
    tpu.wait_indirect_dma semaphore(%arg8 : memref<!tpu.dma_semaphore, #tpu.memory_space<semaphore_mem>>) src(%dma_wait3A_321 : memref<1000000x64xf32, #tpu.memory_space<hbm>>) dst(%dma_wait3A_315 : memref<128x64xf32, #tpu.memory_space<vmem>>)
    %dma_wait3A_322 = arith.constant 196 : i32
    %dma_wait3A_323 = arith.constant 1 : i32
    %dma_wait3A_324 = arith.constant 1 : i32
    %dma_wait3A_325 = arith.constant 0 : i32
    %dma_wait3A_326 = arith.constant 0 : i32
    %dma_wait3A_327 = tpu.memref_slice %arg6[%dma_wait3A_323, %dma_wait3A_324, %dma_wait3A_325, %dma_wait3A_326] : memref<2x5x128x64xf32, #tpu.memory_space<vmem>> -> memref<1x1x128x64xf32, #tpu.memory_space<vmem>>
    %dma_wait3A_328 = tpu.memref_squeeze %dma_wait3A_327 : memref<1x1x128x64xf32, #tpu.memory_space<vmem>> -> memref<128x64xf32, #tpu.memory_space<vmem>>
    %dma_wait3A_329 = arith.constant 0 : i32
    %dma_wait3A_330 = tpu.memref_slice %arg5[%dma_wait3A_322, %dma_wait3A_329] : memref<200x128xi32, #tpu.memory_space<vmem>> -> memref<1x128xi32, #tpu.memory_space<vmem>>
    %dma_wait3A_331 = tpu.memref_squeeze %dma_wait3A_330 : memref<1x128xi32, #tpu.memory_space<vmem>> -> memref<128xi32, #tpu.memory_space<vmem>>
    %dma_wait3A_332 = arith.constant 0 : i32
    %dma_wait3A_333 = arith.constant 0 : i32
    %dma_wait3A_334 = tpu.memref_slice %arg3[%dma_wait3A_332, %dma_wait3A_333] : memref<1000000x64xf32, #tpu.memory_space<hbm>> -> memref<1000000x64xf32, #tpu.memory_space<hbm>>
    tpu.wait_indirect_dma semaphore(%arg8 : memref<!tpu.dma_semaphore, #tpu.memory_space<semaphore_mem>>) src(%dma_wait3A_334 : memref<1000000x64xf32, #tpu.memory_space<hbm>>) dst(%dma_wait3A_328 : memref<128x64xf32, #tpu.memory_space<vmem>>)
    %dma_wait3A_335 = arith.constant 197 : i32
    %dma_wait3A_336 = arith.constant 1 : i32
    %dma_wait3A_337 = arith.constant 2 : i32
    %dma_wait3A_338 = arith.constant 0 : i32
    %dma_wait3A_339 = arith.constant 0 : i32
    %dma_wait3A_340 = tpu.memref_slice %arg6[%dma_wait3A_336, %dma_wait3A_337, %dma_wait3A_338, %dma_wait3A_339] : memref<2x5x128x64xf32, #tpu.memory_space<vmem>> -> memref<1x1x128x64xf32, #tpu.memory_space<vmem>>
    %dma_wait3A_341 = tpu.memref_squeeze %dma_wait3A_340 : memref<1x1x128x64xf32, #tpu.memory_space<vmem>> -> memref<128x64xf32, #tpu.memory_space<vmem>>
    %dma_wait3A_342 = arith.constant 0 : i32
    %dma_wait3A_343 = tpu.memref_slice %arg5[%dma_wait3A_335, %dma_wait3A_342] : memref<200x128xi32, #tpu.memory_space<vmem>> -> memref<1x128xi32, #tpu.memory_space<vmem>>
    %dma_wait3A_344 = tpu.memref_squeeze %dma_wait3A_343 : memref<1x128xi32, #tpu.memory_space<vmem>> -> memref<128xi32, #tpu.memory_space<vmem>>
    %dma_wait3A_345 = arith.constant 0 : i32
    %dma_wait3A_346 = arith.constant 0 : i32
    %dma_wait3A_347 = tpu.memref_slice %arg3[%dma_wait3A_345, %dma_wait3A_346] : memref<1000000x64xf32, #tpu.memory_space<hbm>> -> memref<1000000x64xf32, #tpu.memory_space<hbm>>
    tpu.wait_indirect_dma semaphore(%arg8 : memref<!tpu.dma_semaphore, #tpu.memory_space<semaphore_mem>>) src(%dma_wait3A_347 : memref<1000000x64xf32, #tpu.memory_space<hbm>>) dst(%dma_wait3A_341 : memref<128x64xf32, #tpu.memory_space<vmem>>)
    %dma_wait3A_348 = arith.constant 198 : i32
    %dma_wait3A_349 = arith.constant 1 : i32
    %dma_wait3A_350 = arith.constant 3 : i32
    %dma_wait3A_351 = arith.constant 0 : i32
    %dma_wait3A_352 = arith.constant 0 : i32
    %dma_wait3A_353 = tpu.memref_slice %arg6[%dma_wait3A_349, %dma_wait3A_350, %dma_wait3A_351, %dma_wait3A_352] : memref<2x5x128x64xf32, #tpu.memory_space<vmem>> -> memref<1x1x128x64xf32, #tpu.memory_space<vmem>>
    %dma_wait3A_354 = tpu.memref_squeeze %dma_wait3A_353 : memref<1x1x128x64xf32, #tpu.memory_space<vmem>> -> memref<128x64xf32, #tpu.memory_space<vmem>>
    %dma_wait3A_355 = arith.constant 0 : i32
    %dma_wait3A_356 = tpu.memref_slice %arg5[%dma_wait3A_348, %dma_wait3A_355] : memref<200x128xi32, #tpu.memory_space<vmem>> -> memref<1x128xi32, #tpu.memory_space<vmem>>
    %dma_wait3A_357 = tpu.memref_squeeze %dma_wait3A_356 : memref<1x128xi32, #tpu.memory_space<vmem>> -> memref<128xi32, #tpu.memory_space<vmem>>
    %dma_wait3A_358 = arith.constant 0 : i32
    %dma_wait3A_359 = arith.constant 0 : i32
    %dma_wait3A_360 = tpu.memref_slice %arg3[%dma_wait3A_358, %dma_wait3A_359] : memref<1000000x64xf32, #tpu.memory_space<hbm>> -> memref<1000000x64xf32, #tpu.memory_space<hbm>>
    tpu.wait_indirect_dma semaphore(%arg8 : memref<!tpu.dma_semaphore, #tpu.memory_space<semaphore_mem>>) src(%dma_wait3A_360 : memref<1000000x64xf32, #tpu.memory_space<hbm>>) dst(%dma_wait3A_354 : memref<128x64xf32, #tpu.memory_space<vmem>>)
    %dma_wait3A_361 = arith.constant 199 : i32
    %dma_wait3A_362 = arith.constant 1 : i32
    %dma_wait3A_363 = arith.constant 4 : i32
    %dma_wait3A_364 = arith.constant 0 : i32
    %dma_wait3A_365 = arith.constant 0 : i32
    %dma_wait3A_366 = tpu.memref_slice %arg6[%dma_wait3A_362, %dma_wait3A_363, %dma_wait3A_364, %dma_wait3A_365] : memref<2x5x128x64xf32, #tpu.memory_space<vmem>> -> memref<1x1x128x64xf32, #tpu.memory_space<vmem>>
    %dma_wait3A_367 = tpu.memref_squeeze %dma_wait3A_366 : memref<1x1x128x64xf32, #tpu.memory_space<vmem>> -> memref<128x64xf32, #tpu.memory_space<vmem>>
    %dma_wait3A_368 = arith.constant 0 : i32
    %dma_wait3A_369 = tpu.memref_slice %arg5[%dma_wait3A_361, %dma_wait3A_368] : memref<200x128xi32, #tpu.memory_space<vmem>> -> memref<1x128xi32, #tpu.memory_space<vmem>>
    %dma_wait3A_370 = tpu.memref_squeeze %dma_wait3A_369 : memref<1x128xi32, #tpu.memory_space<vmem>> -> memref<128xi32, #tpu.memory_space<vmem>>
    %dma_wait3A_371 = arith.constant 0 : i32
    %dma_wait3A_372 = arith.constant 0 : i32
    %dma_wait3A_373 = tpu.memref_slice %arg3[%dma_wait3A_371, %dma_wait3A_372] : memref<1000000x64xf32, #tpu.memory_space<hbm>> -> memref<1000000x64xf32, #tpu.memory_space<hbm>>
    tpu.wait_indirect_dma semaphore(%arg8 : memref<!tpu.dma_semaphore, #tpu.memory_space<semaphore_mem>>) src(%dma_wait3A_373 : memref<1000000x64xf32, #tpu.memory_space<hbm>>) dst(%dma_wait3A_367 : memref<128x64xf32, #tpu.memory_space<vmem>>)
    %mul3A_374 = arith.constant 200 : i32
    %mul3A_375 = arith.muli %add3A, %mul3A_374 : i32
    %add3A_376 = arith.constant 195 : i32
    %add3A_377 = arith.addi %mul3A_375, %add3A_376 : i32
    %add3A_378 = arith.constant 0 : i32
    %add3A_379 = arith.addi %add3A_377, %add3A_378 : i32
    %mul3A_380 = arith.constant 128 : i32
    %mul3A_381 = arith.muli %add3A_379, %mul3A_380 : i32
    %dma_start3A_382 = arith.constant 1 : i32
    %dma_start3A_383 = arith.constant 0 : i32
    %dma_start3A_384 = arith.constant 0 : i32
    %dma_start3A_385 = arith.constant 0 : i32
    %dma_start3A_386 = tpu.memref_slice %arg6[%dma_start3A_382, %dma_start3A_383, %dma_start3A_384, %dma_start3A_385] : memref<2x5x128x64xf32, #tpu.memory_space<vmem>> -> memref<1x1x128x64xf32, #tpu.memory_space<vmem>>
    %dma_start3A_387 = tpu.memref_squeeze %dma_start3A_386 : memref<1x1x128x64xf32, #tpu.memory_space<vmem>> -> memref<128x64xf32, #tpu.memory_space<vmem>>
    %dma_start3A_388 = arith.constant 0 : i32
    %dma_start3A_389 = tpu.memref_slice %arg4[%mul3A_381, %dma_start3A_388] : memref<819200x64xf32, #tpu.memory_space<hbm>> -> memref<128x64xf32, #tpu.memory_space<hbm>>
    %dma_start3A_390 = arith.constant 0 : i32
    %dma_start3A_391 = tpu.memref_slice %arg4[%mul3A_381, %dma_start3A_390] : memref<819200x64xf32, #tpu.memory_space<hbm>> -> memref<128x64xf32, #tpu.memory_space<hbm>>
    %dma_start3A_392 = arith.constant 0 : i32
    %dma_start3A_393 = arith.constant 0 : i32
    %dma_start3A_394 = tpu.memref_slice %arg6[%dma_start3A_382, %dma_start3A_383, %dma_start3A_392, %dma_start3A_393] : memref<2x5x128x64xf32, #tpu.memory_space<vmem>> -> memref<1x1x128x64xf32, #tpu.memory_space<vmem>>
    %dma_start3A_395 = tpu.memref_squeeze %dma_start3A_394 : memref<1x1x128x64xf32, #tpu.memory_space<vmem>> -> memref<128x64xf32, #tpu.memory_space<vmem>>
    tpu.enqueue_dma source(%dma_start3A_395 : memref<128x64xf32, #tpu.memory_space<vmem>>) target(%dma_start3A_391 : memref<128x64xf32, #tpu.memory_space<hbm>>) target_semaphore(%arg10 : memref<!tpu.dma_semaphore, #tpu.memory_space<semaphore_mem>>)
    %mul3A_396 = arith.constant 200 : i32
    %mul3A_397 = arith.muli %add3A, %mul3A_396 : i32
    %add3A_398 = arith.constant 195 : i32
    %add3A_399 = arith.addi %mul3A_397, %add3A_398 : i32
    %add3A_400 = arith.constant 1 : i32
    %add3A_401 = arith.addi %add3A_399, %add3A_400 : i32
    %mul3A_402 = arith.constant 128 : i32
    %mul3A_403 = arith.muli %add3A_401, %mul3A_402 : i32
    %dma_start3A_404 = arith.constant 1 : i32
    %dma_start3A_405 = arith.constant 1 : i32
    %dma_start3A_406 = arith.constant 0 : i32
    %dma_start3A_407 = arith.constant 0 : i32
    %dma_start3A_408 = tpu.memref_slice %arg6[%dma_start3A_404, %dma_start3A_405, %dma_start3A_406, %dma_start3A_407] : memref<2x5x128x64xf32, #tpu.memory_space<vmem>> -> memref<1x1x128x64xf32, #tpu.memory_space<vmem>>
    %dma_start3A_409 = tpu.memref_squeeze %dma_start3A_408 : memref<1x1x128x64xf32, #tpu.memory_space<vmem>> -> memref<128x64xf32, #tpu.memory_space<vmem>>
    %dma_start3A_410 = arith.constant 0 : i32
    %dma_start3A_411 = tpu.memref_slice %arg4[%mul3A_403, %dma_start3A_410] : memref<819200x64xf32, #tpu.memory_space<hbm>> -> memref<128x64xf32, #tpu.memory_space<hbm>>
    %dma_start3A_412 = arith.constant 0 : i32
    %dma_start3A_413 = tpu.memref_slice %arg4[%mul3A_403, %dma_start3A_412] : memref<819200x64xf32, #tpu.memory_space<hbm>> -> memref<128x64xf32, #tpu.memory_space<hbm>>
    %dma_start3A_414 = arith.constant 0 : i32
    %dma_start3A_415 = arith.constant 0 : i32
    %dma_start3A_416 = tpu.memref_slice %arg6[%dma_start3A_404, %dma_start3A_405, %dma_start3A_414, %dma_start3A_415] : memref<2x5x128x64xf32, #tpu.memory_space<vmem>> -> memref<1x1x128x64xf32, #tpu.memory_space<vmem>>
    %dma_start3A_417 = tpu.memref_squeeze %dma_start3A_416 : memref<1x1x128x64xf32, #tpu.memory_space<vmem>> -> memref<128x64xf32, #tpu.memory_space<vmem>>
    tpu.enqueue_dma source(%dma_start3A_417 : memref<128x64xf32, #tpu.memory_space<vmem>>) target(%dma_start3A_413 : memref<128x64xf32, #tpu.memory_space<hbm>>) target_semaphore(%arg10 : memref<!tpu.dma_semaphore, #tpu.memory_space<semaphore_mem>>)
    %mul3A_418 = arith.constant 200 : i32
    %mul3A_419 = arith.muli %add3A, %mul3A_418 : i32
    %add3A_420 = arith.constant 195 : i32
    %add3A_421 = arith.addi %mul3A_419, %add3A_420 : i32
    %add3A_422 = arith.constant 2 : i32
    %add3A_423 = arith.addi %add3A_421, %add3A_422 : i32
    %mul3A_424 = arith.constant 128 : i32
    %mul3A_425 = arith.muli %add3A_423, %mul3A_424 : i32
    %dma_start3A_426 = arith.constant 1 : i32
    %dma_start3A_427 = arith.constant 2 : i32
    %dma_start3A_428 = arith.constant 0 : i32
    %dma_start3A_429 = arith.constant 0 : i32
    %dma_start3A_430 = tpu.memref_slice %arg6[%dma_start3A_426, %dma_start3A_427, %dma_start3A_428, %dma_start3A_429] : memref<2x5x128x64xf32, #tpu.memory_space<vmem>> -> memref<1x1x128x64xf32, #tpu.memory_space<vmem>>
    %dma_start3A_431 = tpu.memref_squeeze %dma_start3A_430 : memref<1x1x128x64xf32, #tpu.memory_space<vmem>> -> memref<128x64xf32, #tpu.memory_space<vmem>>
    %dma_start3A_432 = arith.constant 0 : i32
    %dma_start3A_433 = tpu.memref_slice %arg4[%mul3A_425, %dma_start3A_432] : memref<819200x64xf32, #tpu.memory_space<hbm>> -> memref<128x64xf32, #tpu.memory_space<hbm>>
    %dma_start3A_434 = arith.constant 0 : i32
    %dma_start3A_435 = tpu.memref_slice %arg4[%mul3A_425, %dma_start3A_434] : memref<819200x64xf32, #tpu.memory_space<hbm>> -> memref<128x64xf32, #tpu.memory_space<hbm>>
    %dma_start3A_436 = arith.constant 0 : i32
    %dma_start3A_437 = arith.constant 0 : i32
    %dma_start3A_438 = tpu.memref_slice %arg6[%dma_start3A_426, %dma_start3A_427, %dma_start3A_436, %dma_start3A_437] : memref<2x5x128x64xf32, #tpu.memory_space<vmem>> -> memref<1x1x128x64xf32, #tpu.memory_space<vmem>>
    %dma_start3A_439 = tpu.memref_squeeze %dma_start3A_438 : memref<1x1x128x64xf32, #tpu.memory_space<vmem>> -> memref<128x64xf32, #tpu.memory_space<vmem>>
    tpu.enqueue_dma source(%dma_start3A_439 : memref<128x64xf32, #tpu.memory_space<vmem>>) target(%dma_start3A_435 : memref<128x64xf32, #tpu.memory_space<hbm>>) target_semaphore(%arg10 : memref<!tpu.dma_semaphore, #tpu.memory_space<semaphore_mem>>)
    %mul3A_440 = arith.constant 200 : i32
    %mul3A_441 = arith.muli %add3A, %mul3A_440 : i32
    %add3A_442 = arith.constant 195 : i32
    %add3A_443 = arith.addi %mul3A_441, %add3A_442 : i32
    %add3A_444 = arith.constant 3 : i32
    %add3A_445 = arith.addi %add3A_443, %add3A_444 : i32
    %mul3A_446 = arith.constant 128 : i32
    %mul3A_447 = arith.muli %add3A_445, %mul3A_446 : i32
    %dma_start3A_448 = arith.constant 1 : i32
    %dma_start3A_449 = arith.constant 3 : i32
    %dma_start3A_450 = arith.constant 0 : i32
    %dma_start3A_451 = arith.constant 0 : i32
    %dma_start3A_452 = tpu.memref_slice %arg6[%dma_start3A_448, %dma_start3A_449, %dma_start3A_450, %dma_start3A_451] : memref<2x5x128x64xf32, #tpu.memory_space<vmem>> -> memref<1x1x128x64xf32, #tpu.memory_space<vmem>>
    %dma_start3A_453 = tpu.memref_squeeze %dma_start3A_452 : memref<1x1x128x64xf32, #tpu.memory_space<vmem>> -> memref<128x64xf32, #tpu.memory_space<vmem>>
    %dma_start3A_454 = arith.constant 0 : i32
    %dma_start3A_455 = tpu.memref_slice %arg4[%mul3A_447, %dma_start3A_454] : memref<819200x64xf32, #tpu.memory_space<hbm>> -> memref<128x64xf32, #tpu.memory_space<hbm>>
    %dma_start3A_456 = arith.constant 0 : i32
    %dma_start3A_457 = tpu.memref_slice %arg4[%mul3A_447, %dma_start3A_456] : memref<819200x64xf32, #tpu.memory_space<hbm>> -> memref<128x64xf32, #tpu.memory_space<hbm>>
    %dma_start3A_458 = arith.constant 0 : i32
    %dma_start3A_459 = arith.constant 0 : i32
    %dma_start3A_460 = tpu.memref_slice %arg6[%dma_start3A_448, %dma_start3A_449, %dma_start3A_458, %dma_start3A_459] : memref<2x5x128x64xf32, #tpu.memory_space<vmem>> -> memref<1x1x128x64xf32, #tpu.memory_space<vmem>>
    %dma_start3A_461 = tpu.memref_squeeze %dma_start3A_460 : memref<1x1x128x64xf32, #tpu.memory_space<vmem>> -> memref<128x64xf32, #tpu.memory_space<vmem>>
    tpu.enqueue_dma source(%dma_start3A_461 : memref<128x64xf32, #tpu.memory_space<vmem>>) target(%dma_start3A_457 : memref<128x64xf32, #tpu.memory_space<hbm>>) target_semaphore(%arg10 : memref<!tpu.dma_semaphore, #tpu.memory_space<semaphore_mem>>)
    %mul3A_462 = arith.constant 200 : i32
    %mul3A_463 = arith.muli %add3A, %mul3A_462 : i32
    %add3A_464 = arith.constant 195 : i32
    %add3A_465 = arith.addi %mul3A_463, %add3A_464 : i32
    %add3A_466 = arith.constant 4 : i32
    %add3A_467 = arith.addi %add3A_465, %add3A_466 : i32
    %mul3A_468 = arith.constant 128 : i32
    %mul3A_469 = arith.muli %add3A_467, %mul3A_468 : i32
    %dma_start3A_470 = arith.constant 1 : i32
    %dma_start3A_471 = arith.constant 4 : i32
    %dma_start3A_472 = arith.constant 0 : i32
    %dma_start3A_473 = arith.constant 0 : i32
    %dma_start3A_474 = tpu.memref_slice %arg6[%dma_start3A_470, %dma_start3A_471, %dma_start3A_472, %dma_start3A_473] : memref<2x5x128x64xf32, #tpu.memory_space<vmem>> -> memref<1x1x128x64xf32, #tpu.memory_space<vmem>>
    %dma_start3A_475 = tpu.memref_squeeze %dma_start3A_474 : memref<1x1x128x64xf32, #tpu.memory_space<vmem>> -> memref<128x64xf32, #tpu.memory_space<vmem>>
    %dma_start3A_476 = arith.constant 0 : i32
    %dma_start3A_477 = tpu.memref_slice %arg4[%mul3A_469, %dma_start3A_476] : memref<819200x64xf32, #tpu.memory_space<hbm>> -> memref<128x64xf32, #tpu.memory_space<hbm>>
    %dma_start3A_478 = arith.constant 0 : i32
    %dma_start3A_479 = tpu.memref_slice %arg4[%mul3A_469, %dma_start3A_478] : memref<819200x64xf32, #tpu.memory_space<hbm>> -> memref<128x64xf32, #tpu.memory_space<hbm>>
    %dma_start3A_480 = arith.constant 0 : i32
    %dma_start3A_481 = arith.constant 0 : i32
    %dma_start3A_482 = tpu.memref_slice %arg6[%dma_start3A_470, %dma_start3A_471, %dma_start3A_480, %dma_start3A_481] : memref<2x5x128x64xf32, #tpu.memory_space<vmem>> -> memref<1x1x128x64xf32, #tpu.memory_space<vmem>>
    %dma_start3A_483 = tpu.memref_squeeze %dma_start3A_482 : memref<1x1x128x64xf32, #tpu.memory_space<vmem>> -> memref<128x64xf32, #tpu.memory_space<vmem>>
    tpu.enqueue_dma source(%dma_start3A_483 : memref<128x64xf32, #tpu.memory_space<vmem>>) target(%dma_start3A_479 : memref<128x64xf32, #tpu.memory_space<hbm>>) target_semaphore(%arg10 : memref<!tpu.dma_semaphore, #tpu.memory_space<semaphore_mem>>)
    %mul3A_484 = arith.constant 200 : i32
    %mul3A_485 = arith.muli %add3A, %mul3A_484 : i32
    %add3A_486 = arith.constant 190 : i32
    %add3A_487 = arith.addi %mul3A_485, %add3A_486 : i32
    %add3A_488 = arith.constant 0 : i32
    %add3A_489 = arith.addi %add3A_487, %add3A_488 : i32
    %mul3A_490 = arith.constant 128 : i32
    %mul3A_491 = arith.muli %add3A_489, %mul3A_490 : i32
    %dma_wait3A_492 = arith.constant 0 : i32
    %dma_wait3A_493 = arith.constant 0 : i32
    %dma_wait3A_494 = arith.constant 0 : i32
    %dma_wait3A_495 = arith.constant 0 : i32
    %dma_wait3A_496 = tpu.memref_slice %arg6[%dma_wait3A_492, %dma_wait3A_493, %dma_wait3A_494, %dma_wait3A_495] : memref<2x5x128x64xf32, #tpu.memory_space<vmem>> -> memref<1x1x128x64xf32, #tpu.memory_space<vmem>>
    %dma_wait3A_497 = tpu.memref_squeeze %dma_wait3A_496 : memref<1x1x128x64xf32, #tpu.memory_space<vmem>> -> memref<128x64xf32, #tpu.memory_space<vmem>>
    %dma_wait3A_498 = arith.constant 0 : i32
    %dma_wait3A_499 = tpu.memref_slice %arg4[%mul3A_491, %dma_wait3A_498] : memref<819200x64xf32, #tpu.memory_space<hbm>> -> memref<128x64xf32, #tpu.memory_space<hbm>>
    %dma_wait3A_500 = arith.constant 0 : i32
    %dma_wait3A_501 = tpu.memref_slice %arg4[%mul3A_491, %dma_wait3A_500] : memref<819200x64xf32, #tpu.memory_space<hbm>> -> memref<128x64xf32, #tpu.memory_space<hbm>>
    %dma_wait3A_502 = arith.constant 0 : i32
    %dma_wait3A_503 = arith.constant 0 : i32
    %dma_wait3A_504 = tpu.memref_slice %arg6[%dma_wait3A_492, %dma_wait3A_493, %dma_wait3A_502, %dma_wait3A_503] : memref<2x5x128x64xf32, #tpu.memory_space<vmem>> -> memref<1x1x128x64xf32, #tpu.memory_space<vmem>>
    %dma_wait3A_505 = tpu.memref_squeeze %dma_wait3A_504 : memref<1x1x128x64xf32, #tpu.memory_space<vmem>> -> memref<128x64xf32, #tpu.memory_space<vmem>>
    tpu.wait_dma2 semaphore(%arg9 : memref<!tpu.dma_semaphore, #tpu.memory_space<semaphore_mem>>) src(%dma_wait3A_505 : memref<128x64xf32, #tpu.memory_space<vmem>>) dst(%dma_wait3A_501 : memref<128x64xf32, #tpu.memory_space<hbm>>)
    %mul3A_506 = arith.constant 200 : i32
    %mul3A_507 = arith.muli %add3A, %mul3A_506 : i32
    %add3A_508 = arith.constant 190 : i32
    %add3A_509 = arith.addi %mul3A_507, %add3A_508 : i32
    %add3A_510 = arith.constant 1 : i32
    %add3A_511 = arith.addi %add3A_509, %add3A_510 : i32
    %mul3A_512 = arith.constant 128 : i32
    %mul3A_513 = arith.muli %add3A_511, %mul3A_512 : i32
    %dma_wait3A_514 = arith.constant 0 : i32
    %dma_wait3A_515 = arith.constant 1 : i32
    %dma_wait3A_516 = arith.constant 0 : i32
    %dma_wait3A_517 = arith.constant 0 : i32
    %dma_wait3A_518 = tpu.memref_slice %arg6[%dma_wait3A_514, %dma_wait3A_515, %dma_wait3A_516, %dma_wait3A_517] : memref<2x5x128x64xf32, #tpu.memory_space<vmem>> -> memref<1x1x128x64xf32, #tpu.memory_space<vmem>>
    %dma_wait3A_519 = tpu.memref_squeeze %dma_wait3A_518 : memref<1x1x128x64xf32, #tpu.memory_space<vmem>> -> memref<128x64xf32, #tpu.memory_space<vmem>>
    %dma_wait3A_520 = arith.constant 0 : i32
    %dma_wait3A_521 = tpu.memref_slice %arg4[%mul3A_513, %dma_wait3A_520] : memref<819200x64xf32, #tpu.memory_space<hbm>> -> memref<128x64xf32, #tpu.memory_space<hbm>>
    %dma_wait3A_522 = arith.constant 0 : i32
    %dma_wait3A_523 = tpu.memref_slice %arg4[%mul3A_513, %dma_wait3A_522] : memref<819200x64xf32, #tpu.memory_space<hbm>> -> memref<128x64xf32, #tpu.memory_space<hbm>>
    %dma_wait3A_524 = arith.constant 0 : i32
    %dma_wait3A_525 = arith.constant 0 : i32
    %dma_wait3A_526 = tpu.memref_slice %arg6[%dma_wait3A_514, %dma_wait3A_515, %dma_wait3A_524, %dma_wait3A_525] : memref<2x5x128x64xf32, #tpu.memory_space<vmem>> -> memref<1x1x128x64xf32, #tpu.memory_space<vmem>>
    %dma_wait3A_527 = tpu.memref_squeeze %dma_wait3A_526 : memref<1x1x128x64xf32, #tpu.memory_space<vmem>> -> memref<128x64xf32, #tpu.memory_space<vmem>>
    tpu.wait_dma2 semaphore(%arg9 : memref<!tpu.dma_semaphore, #tpu.memory_space<semaphore_mem>>) src(%dma_wait3A_527 : memref<128x64xf32, #tpu.memory_space<vmem>>) dst(%dma_wait3A_523 : memref<128x64xf32, #tpu.memory_space<hbm>>)
    %mul3A_528 = arith.constant 200 : i32
    %mul3A_529 = arith.muli %add3A, %mul3A_528 : i32
    %add3A_530 = arith.constant 190 : i32
    %add3A_531 = arith.addi %mul3A_529, %add3A_530 : i32
    %add3A_532 = arith.constant 2 : i32
    %add3A_533 = arith.addi %add3A_531, %add3A_532 : i32
    %mul3A_534 = arith.constant 128 : i32
    %mul3A_535 = arith.muli %add3A_533, %mul3A_534 : i32
    %dma_wait3A_536 = arith.constant 0 : i32
    %dma_wait3A_537 = arith.constant 2 : i32
    %dma_wait3A_538 = arith.constant 0 : i32
    %dma_wait3A_539 = arith.constant 0 : i32
    %dma_wait3A_540 = tpu.memref_slice %arg6[%dma_wait3A_536, %dma_wait3A_537, %dma_wait3A_538, %dma_wait3A_539] : memref<2x5x128x64xf32, #tpu.memory_space<vmem>> -> memref<1x1x128x64xf32, #tpu.memory_space<vmem>>
    %dma_wait3A_541 = tpu.memref_squeeze %dma_wait3A_540 : memref<1x1x128x64xf32, #tpu.memory_space<vmem>> -> memref<128x64xf32, #tpu.memory_space<vmem>>
    %dma_wait3A_542 = arith.constant 0 : i32
    %dma_wait3A_543 = tpu.memref_slice %arg4[%mul3A_535, %dma_wait3A_542] : memref<819200x64xf32, #tpu.memory_space<hbm>> -> memref<128x64xf32, #tpu.memory_space<hbm>>
    %dma_wait3A_544 = arith.constant 0 : i32
    %dma_wait3A_545 = tpu.memref_slice %arg4[%mul3A_535, %dma_wait3A_544] : memref<819200x64xf32, #tpu.memory_space<hbm>> -> memref<128x64xf32, #tpu.memory_space<hbm>>
    %dma_wait3A_546 = arith.constant 0 : i32
    %dma_wait3A_547 = arith.constant 0 : i32
    %dma_wait3A_548 = tpu.memref_slice %arg6[%dma_wait3A_536, %dma_wait3A_537, %dma_wait3A_546, %dma_wait3A_547] : memref<2x5x128x64xf32, #tpu.memory_space<vmem>> -> memref<1x1x128x64xf32, #tpu.memory_space<vmem>>
    %dma_wait3A_549 = tpu.memref_squeeze %dma_wait3A_548 : memref<1x1x128x64xf32, #tpu.memory_space<vmem>> -> memref<128x64xf32, #tpu.memory_space<vmem>>
    tpu.wait_dma2 semaphore(%arg9 : memref<!tpu.dma_semaphore, #tpu.memory_space<semaphore_mem>>) src(%dma_wait3A_549 : memref<128x64xf32, #tpu.memory_space<vmem>>) dst(%dma_wait3A_545 : memref<128x64xf32, #tpu.memory_space<hbm>>)
    %mul3A_550 = arith.constant 200 : i32
    %mul3A_551 = arith.muli %add3A, %mul3A_550 : i32
    %add3A_552 = arith.constant 190 : i32
    %add3A_553 = arith.addi %mul3A_551, %add3A_552 : i32
    %add3A_554 = arith.constant 3 : i32
    %add3A_555 = arith.addi %add3A_553, %add3A_554 : i32
    %mul3A_556 = arith.constant 128 : i32
    %mul3A_557 = arith.muli %add3A_555, %mul3A_556 : i32
    %dma_wait3A_558 = arith.constant 0 : i32
    %dma_wait3A_559 = arith.constant 3 : i32
    %dma_wait3A_560 = arith.constant 0 : i32
    %dma_wait3A_561 = arith.constant 0 : i32
    %dma_wait3A_562 = tpu.memref_slice %arg6[%dma_wait3A_558, %dma_wait3A_559, %dma_wait3A_560, %dma_wait3A_561] : memref<2x5x128x64xf32, #tpu.memory_space<vmem>> -> memref<1x1x128x64xf32, #tpu.memory_space<vmem>>
    %dma_wait3A_563 = tpu.memref_squeeze %dma_wait3A_562 : memref<1x1x128x64xf32, #tpu.memory_space<vmem>> -> memref<128x64xf32, #tpu.memory_space<vmem>>
    %dma_wait3A_564 = arith.constant 0 : i32
    %dma_wait3A_565 = tpu.memref_slice %arg4[%mul3A_557, %dma_wait3A_564] : memref<819200x64xf32, #tpu.memory_space<hbm>> -> memref<128x64xf32, #tpu.memory_space<hbm>>
    %dma_wait3A_566 = arith.constant 0 : i32
    %dma_wait3A_567 = tpu.memref_slice %arg4[%mul3A_557, %dma_wait3A_566] : memref<819200x64xf32, #tpu.memory_space<hbm>> -> memref<128x64xf32, #tpu.memory_space<hbm>>
    %dma_wait3A_568 = arith.constant 0 : i32
    %dma_wait3A_569 = arith.constant 0 : i32
    %dma_wait3A_570 = tpu.memref_slice %arg6[%dma_wait3A_558, %dma_wait3A_559, %dma_wait3A_568, %dma_wait3A_569] : memref<2x5x128x64xf32, #tpu.memory_space<vmem>> -> memref<1x1x128x64xf32, #tpu.memory_space<vmem>>
    %dma_wait3A_571 = tpu.memref_squeeze %dma_wait3A_570 : memref<1x1x128x64xf32, #tpu.memory_space<vmem>> -> memref<128x64xf32, #tpu.memory_space<vmem>>
    tpu.wait_dma2 semaphore(%arg9 : memref<!tpu.dma_semaphore, #tpu.memory_space<semaphore_mem>>) src(%dma_wait3A_571 : memref<128x64xf32, #tpu.memory_space<vmem>>) dst(%dma_wait3A_567 : memref<128x64xf32, #tpu.memory_space<hbm>>)
    %mul3A_572 = arith.constant 200 : i32
    %mul3A_573 = arith.muli %add3A, %mul3A_572 : i32
    %add3A_574 = arith.constant 190 : i32
    %add3A_575 = arith.addi %mul3A_573, %add3A_574 : i32
    %add3A_576 = arith.constant 4 : i32
    %add3A_577 = arith.addi %add3A_575, %add3A_576 : i32
    %mul3A_578 = arith.constant 128 : i32
    %mul3A_579 = arith.muli %add3A_577, %mul3A_578 : i32
    %dma_wait3A_580 = arith.constant 0 : i32
    %dma_wait3A_581 = arith.constant 4 : i32
    %dma_wait3A_582 = arith.constant 0 : i32
    %dma_wait3A_583 = arith.constant 0 : i32
    %dma_wait3A_584 = tpu.memref_slice %arg6[%dma_wait3A_580, %dma_wait3A_581, %dma_wait3A_582, %dma_wait3A_583] : memref<2x5x128x64xf32, #tpu.memory_space<vmem>> -> memref<1x1x128x64xf32, #tpu.memory_space<vmem>>
    %dma_wait3A_585 = tpu.memref_squeeze %dma_wait3A_584 : memref<1x1x128x64xf32, #tpu.memory_space<vmem>> -> memref<128x64xf32, #tpu.memory_space<vmem>>
    %dma_wait3A_586 = arith.constant 0 : i32
    %dma_wait3A_587 = tpu.memref_slice %arg4[%mul3A_579, %dma_wait3A_586] : memref<819200x64xf32, #tpu.memory_space<hbm>> -> memref<128x64xf32, #tpu.memory_space<hbm>>
    %dma_wait3A_588 = arith.constant 0 : i32
    %dma_wait3A_589 = tpu.memref_slice %arg4[%mul3A_579, %dma_wait3A_588] : memref<819200x64xf32, #tpu.memory_space<hbm>> -> memref<128x64xf32, #tpu.memory_space<hbm>>
    %dma_wait3A_590 = arith.constant 0 : i32
    %dma_wait3A_591 = arith.constant 0 : i32
    %dma_wait3A_592 = tpu.memref_slice %arg6[%dma_wait3A_580, %dma_wait3A_581, %dma_wait3A_590, %dma_wait3A_591] : memref<2x5x128x64xf32, #tpu.memory_space<vmem>> -> memref<1x1x128x64xf32, #tpu.memory_space<vmem>>
    %dma_wait3A_593 = tpu.memref_squeeze %dma_wait3A_592 : memref<1x1x128x64xf32, #tpu.memory_space<vmem>> -> memref<128x64xf32, #tpu.memory_space<vmem>>
    tpu.wait_dma2 semaphore(%arg9 : memref<!tpu.dma_semaphore, #tpu.memory_space<semaphore_mem>>) src(%dma_wait3A_593 : memref<128x64xf32, #tpu.memory_space<vmem>>) dst(%dma_wait3A_589 : memref<128x64xf32, #tpu.memory_space<hbm>>)
    %mul3A_594 = arith.constant 200 : i32
    %mul3A_595 = arith.muli %add3A, %mul3A_594 : i32
    %add3A_596 = arith.constant 195 : i32
    %add3A_597 = arith.addi %mul3A_595, %add3A_596 : i32
    %add3A_598 = arith.constant 0 : i32
    %add3A_599 = arith.addi %add3A_597, %add3A_598 : i32
    %mul3A_600 = arith.constant 128 : i32
    %mul3A_601 = arith.muli %add3A_599, %mul3A_600 : i32
    %dma_wait3A_602 = arith.constant 1 : i32
    %dma_wait3A_603 = arith.constant 0 : i32
    %dma_wait3A_604 = arith.constant 0 : i32
    %dma_wait3A_605 = arith.constant 0 : i32
    %dma_wait3A_606 = tpu.memref_slice %arg6[%dma_wait3A_602, %dma_wait3A_603, %dma_wait3A_604, %dma_wait3A_605] : memref<2x5x128x64xf32, #tpu.memory_space<vmem>> -> memref<1x1x128x64xf32, #tpu.memory_space<vmem>>
    %dma_wait3A_607 = tpu.memref_squeeze %dma_wait3A_606 : memref<1x1x128x64xf32, #tpu.memory_space<vmem>> -> memref<128x64xf32, #tpu.memory_space<vmem>>
    %dma_wait3A_608 = arith.constant 0 : i32
    %dma_wait3A_609 = tpu.memref_slice %arg4[%mul3A_601, %dma_wait3A_608] : memref<819200x64xf32, #tpu.memory_space<hbm>> -> memref<128x64xf32, #tpu.memory_space<hbm>>
    %dma_wait3A_610 = arith.constant 0 : i32
    %dma_wait3A_611 = tpu.memref_slice %arg4[%mul3A_601, %dma_wait3A_610] : memref<819200x64xf32, #tpu.memory_space<hbm>> -> memref<128x64xf32, #tpu.memory_space<hbm>>
    %dma_wait3A_612 = arith.constant 0 : i32
    %dma_wait3A_613 = arith.constant 0 : i32
    %dma_wait3A_614 = tpu.memref_slice %arg6[%dma_wait3A_602, %dma_wait3A_603, %dma_wait3A_612, %dma_wait3A_613] : memref<2x5x128x64xf32, #tpu.memory_space<vmem>> -> memref<1x1x128x64xf32, #tpu.memory_space<vmem>>
    %dma_wait3A_615 = tpu.memref_squeeze %dma_wait3A_614 : memref<1x1x128x64xf32, #tpu.memory_space<vmem>> -> memref<128x64xf32, #tpu.memory_space<vmem>>
    tpu.wait_dma2 semaphore(%arg10 : memref<!tpu.dma_semaphore, #tpu.memory_space<semaphore_mem>>) src(%dma_wait3A_615 : memref<128x64xf32, #tpu.memory_space<vmem>>) dst(%dma_wait3A_611 : memref<128x64xf32, #tpu.memory_space<hbm>>)
    %mul3A_616 = arith.constant 200 : i32
    %mul3A_617 = arith.muli %add3A, %mul3A_616 : i32
    %add3A_618 = arith.constant 195 : i32
    %add3A_619 = arith.addi %mul3A_617, %add3A_618 : i32
    %add3A_620 = arith.constant 1 : i32
    %add3A_621 = arith.addi %add3A_619, %add3A_620 : i32
    %mul3A_622 = arith.constant 128 : i32
    %mul3A_623 = arith.muli %add3A_621, %mul3A_622 : i32
    %dma_wait3A_624 = arith.constant 1 : i32
    %dma_wait3A_625 = arith.constant 1 : i32
    %dma_wait3A_626 = arith.constant 0 : i32
    %dma_wait3A_627 = arith.constant 0 : i32
    %dma_wait3A_628 = tpu.memref_slice %arg6[%dma_wait3A_624, %dma_wait3A_625, %dma_wait3A_626, %dma_wait3A_627] : memref<2x5x128x64xf32, #tpu.memory_space<vmem>> -> memref<1x1x128x64xf32, #tpu.memory_space<vmem>>
    %dma_wait3A_629 = tpu.memref_squeeze %dma_wait3A_628 : memref<1x1x128x64xf32, #tpu.memory_space<vmem>> -> memref<128x64xf32, #tpu.memory_space<vmem>>
    %dma_wait3A_630 = arith.constant 0 : i32
    %dma_wait3A_631 = tpu.memref_slice %arg4[%mul3A_623, %dma_wait3A_630] : memref<819200x64xf32, #tpu.memory_space<hbm>> -> memref<128x64xf32, #tpu.memory_space<hbm>>
    %dma_wait3A_632 = arith.constant 0 : i32
    %dma_wait3A_633 = tpu.memref_slice %arg4[%mul3A_623, %dma_wait3A_632] : memref<819200x64xf32, #tpu.memory_space<hbm>> -> memref<128x64xf32, #tpu.memory_space<hbm>>
    %dma_wait3A_634 = arith.constant 0 : i32
    %dma_wait3A_635 = arith.constant 0 : i32
    %dma_wait3A_636 = tpu.memref_slice %arg6[%dma_wait3A_624, %dma_wait3A_625, %dma_wait3A_634, %dma_wait3A_635] : memref<2x5x128x64xf32, #tpu.memory_space<vmem>> -> memref<1x1x128x64xf32, #tpu.memory_space<vmem>>
    %dma_wait3A_637 = tpu.memref_squeeze %dma_wait3A_636 : memref<1x1x128x64xf32, #tpu.memory_space<vmem>> -> memref<128x64xf32, #tpu.memory_space<vmem>>
    tpu.wait_dma2 semaphore(%arg10 : memref<!tpu.dma_semaphore, #tpu.memory_space<semaphore_mem>>) src(%dma_wait3A_637 : memref<128x64xf32, #tpu.memory_space<vmem>>) dst(%dma_wait3A_633 : memref<128x64xf32, #tpu.memory_space<hbm>>)
    %mul3A_638 = arith.constant 200 : i32
    %mul3A_639 = arith.muli %add3A, %mul3A_638 : i32
    %add3A_640 = arith.constant 195 : i32
    %add3A_641 = arith.addi %mul3A_639, %add3A_640 : i32
    %add3A_642 = arith.constant 2 : i32
    %add3A_643 = arith.addi %add3A_641, %add3A_642 : i32
    %mul3A_644 = arith.constant 128 : i32
    %mul3A_645 = arith.muli %add3A_643, %mul3A_644 : i32
    %dma_wait3A_646 = arith.constant 1 : i32
    %dma_wait3A_647 = arith.constant 2 : i32
    %dma_wait3A_648 = arith.constant 0 : i32
    %dma_wait3A_649 = arith.constant 0 : i32
    %dma_wait3A_650 = tpu.memref_slice %arg6[%dma_wait3A_646, %dma_wait3A_647, %dma_wait3A_648, %dma_wait3A_649] : memref<2x5x128x64xf32, #tpu.memory_space<vmem>> -> memref<1x1x128x64xf32, #tpu.memory_space<vmem>>
    %dma_wait3A_651 = tpu.memref_squeeze %dma_wait3A_650 : memref<1x1x128x64xf32, #tpu.memory_space<vmem>> -> memref<128x64xf32, #tpu.memory_space<vmem>>
    %dma_wait3A_652 = arith.constant 0 : i32
    %dma_wait3A_653 = tpu.memref_slice %arg4[%mul3A_645, %dma_wait3A_652] : memref<819200x64xf32, #tpu.memory_space<hbm>> -> memref<128x64xf32, #tpu.memory_space<hbm>>
    %dma_wait3A_654 = arith.constant 0 : i32
    %dma_wait3A_655 = tpu.memref_slice %arg4[%mul3A_645, %dma_wait3A_654] : memref<819200x64xf32, #tpu.memory_space<hbm>> -> memref<128x64xf32, #tpu.memory_space<hbm>>
    %dma_wait3A_656 = arith.constant 0 : i32
    %dma_wait3A_657 = arith.constant 0 : i32
    %dma_wait3A_658 = tpu.memref_slice %arg6[%dma_wait3A_646, %dma_wait3A_647, %dma_wait3A_656, %dma_wait3A_657] : memref<2x5x128x64xf32, #tpu.memory_space<vmem>> -> memref<1x1x128x64xf32, #tpu.memory_space<vmem>>
    %dma_wait3A_659 = tpu.memref_squeeze %dma_wait3A_658 : memref<1x1x128x64xf32, #tpu.memory_space<vmem>> -> memref<128x64xf32, #tpu.memory_space<vmem>>
    tpu.wait_dma2 semaphore(%arg10 : memref<!tpu.dma_semaphore, #tpu.memory_space<semaphore_mem>>) src(%dma_wait3A_659 : memref<128x64xf32, #tpu.memory_space<vmem>>) dst(%dma_wait3A_655 : memref<128x64xf32, #tpu.memory_space<hbm>>)
    %mul3A_660 = arith.constant 200 : i32
    %mul3A_661 = arith.muli %add3A, %mul3A_660 : i32
    %add3A_662 = arith.constant 195 : i32
    %add3A_663 = arith.addi %mul3A_661, %add3A_662 : i32
    %add3A_664 = arith.constant 3 : i32
    %add3A_665 = arith.addi %add3A_663, %add3A_664 : i32
    %mul3A_666 = arith.constant 128 : i32
    %mul3A_667 = arith.muli %add3A_665, %mul3A_666 : i32
    %dma_wait3A_668 = arith.constant 1 : i32
    %dma_wait3A_669 = arith.constant 3 : i32
    %dma_wait3A_670 = arith.constant 0 : i32
    %dma_wait3A_671 = arith.constant 0 : i32
    %dma_wait3A_672 = tpu.memref_slice %arg6[%dma_wait3A_668, %dma_wait3A_669, %dma_wait3A_670, %dma_wait3A_671] : memref<2x5x128x64xf32, #tpu.memory_space<vmem>> -> memref<1x1x128x64xf32, #tpu.memory_space<vmem>>
    %dma_wait3A_673 = tpu.memref_squeeze %dma_wait3A_672 : memref<1x1x128x64xf32, #tpu.memory_space<vmem>> -> memref<128x64xf32, #tpu.memory_space<vmem>>
    %dma_wait3A_674 = arith.constant 0 : i32
    %dma_wait3A_675 = tpu.memref_slice %arg4[%mul3A_667, %dma_wait3A_674] : memref<819200x64xf32, #tpu.memory_space<hbm>> -> memref<128x64xf32, #tpu.memory_space<hbm>>
    %dma_wait3A_676 = arith.constant 0 : i32
    %dma_wait3A_677 = tpu.memref_slice %arg4[%mul3A_667, %dma_wait3A_676] : memref<819200x64xf32, #tpu.memory_space<hbm>> -> memref<128x64xf32, #tpu.memory_space<hbm>>
    %dma_wait3A_678 = arith.constant 0 : i32
    %dma_wait3A_679 = arith.constant 0 : i32
    %dma_wait3A_680 = tpu.memref_slice %arg6[%dma_wait3A_668, %dma_wait3A_669, %dma_wait3A_678, %dma_wait3A_679] : memref<2x5x128x64xf32, #tpu.memory_space<vmem>> -> memref<1x1x128x64xf32, #tpu.memory_space<vmem>>
    %dma_wait3A_681 = tpu.memref_squeeze %dma_wait3A_680 : memref<1x1x128x64xf32, #tpu.memory_space<vmem>> -> memref<128x64xf32, #tpu.memory_space<vmem>>
    tpu.wait_dma2 semaphore(%arg10 : memref<!tpu.dma_semaphore, #tpu.memory_space<semaphore_mem>>) src(%dma_wait3A_681 : memref<128x64xf32, #tpu.memory_space<vmem>>) dst(%dma_wait3A_677 : memref<128x64xf32, #tpu.memory_space<hbm>>)
    %mul3A_682 = arith.constant 200 : i32
    %mul3A_683 = arith.muli %add3A, %mul3A_682 : i32
    %add3A_684 = arith.constant 195 : i32
    %add3A_685 = arith.addi %mul3A_683, %add3A_684 : i32
    %add3A_686 = arith.constant 4 : i32
    %add3A_687 = arith.addi %add3A_685, %add3A_686 : i32
    %mul3A_688 = arith.constant 128 : i32
    %mul3A_689 = arith.muli %add3A_687, %mul3A_688 : i32
    %dma_wait3A_690 = arith.constant 1 : i32
    %dma_wait3A_691 = arith.constant 4 : i32
    %dma_wait3A_692 = arith.constant 0 : i32
    %dma_wait3A_693 = arith.constant 0 : i32
    %dma_wait3A_694 = tpu.memref_slice %arg6[%dma_wait3A_690, %dma_wait3A_691, %dma_wait3A_692, %dma_wait3A_693] : memref<2x5x128x64xf32, #tpu.memory_space<vmem>> -> memref<1x1x128x64xf32, #tpu.memory_space<vmem>>
    %dma_wait3A_695 = tpu.memref_squeeze %dma_wait3A_694 : memref<1x1x128x64xf32, #tpu.memory_space<vmem>> -> memref<128x64xf32, #tpu.memory_space<vmem>>
    %dma_wait3A_696 = arith.constant 0 : i32
    %dma_wait3A_697 = tpu.memref_slice %arg4[%mul3A_689, %dma_wait3A_696] : memref<819200x64xf32, #tpu.memory_space<hbm>> -> memref<128x64xf32, #tpu.memory_space<hbm>>
    %dma_wait3A_698 = arith.constant 0 : i32
    %dma_wait3A_699 = tpu.memref_slice %arg4[%mul3A_689, %dma_wait3A_698] : memref<819200x64xf32, #tpu.memory_space<hbm>> -> memref<128x64xf32, #tpu.memory_space<hbm>>
    %dma_wait3A_700 = arith.constant 0 : i32
    %dma_wait3A_701 = arith.constant 0 : i32
    %dma_wait3A_702 = tpu.memref_slice %arg6[%dma_wait3A_690, %dma_wait3A_691, %dma_wait3A_700, %dma_wait3A_701] : memref<2x5x128x64xf32, #tpu.memory_space<vmem>> -> memref<1x1x128x64xf32, #tpu.memory_space<vmem>>
    %dma_wait3A_703 = tpu.memref_squeeze %dma_wait3A_702 : memref<1x1x128x64xf32, #tpu.memory_space<vmem>> -> memref<128x64xf32, #tpu.memory_space<vmem>>
    tpu.wait_dma2 semaphore(%arg10 : memref<!tpu.dma_semaphore, #tpu.memory_space<semaphore_mem>>) src(%dma_wait3A_703 : memref<128x64xf32, #tpu.memory_space<vmem>>) dst(%dma_wait3A_699 : memref<128x64xf32, #tpu.memory_space<hbm>>)
    return
  }
}

</mosaic_0001>

<sc_bundles>
// kernel: kernel.3.cloned.1.call-start
scs
__scs_entry_jumppad:
0x0: {  	(pc) =	sbr.rel $0x88, $3  }
0x1: {  	(tag) =	ssettag $0x0;
	lr =	simm.s32 $0x1  }
0x2: {  	[smem:$0x3F9F] =	sst lr;
	_ =	strace $0xD0000000  }
0x3: {  	_ = 	snop  }
0x4: {  	_ = 	snop  }
0x5: {  	_ = 	snop  }
0x6: {  	_ = 	snop  }
0x7: {  	_ = 	snop  }
__scs_overlays_trampoline_lowered:
0x8: {  	[smem:$0x3FAE] =	sst s0  }
0x9: {  	[smem:$0x3FAF] =	sst s1  }
0xa: {  	[smem:$0x3FB0] =	sst s2  }
0xb: {  	[smem:$0x3FB1] =	sst s3  }
0xc: {  	[smem:$0x3FB2] =	sst s4  }
0xd: {  	[smem:$0x3FB3] =	sst s5  }
0xe: {  	[smem:$0x3FB4] =	sst s6  }
0xf: {  	[smem:$0x3FB5] =	sst s7  }
0x10: {  	[smem:$0x3FB6] =	sst s8  }
0x11: {  	[smem:$0x3FB7] =	sst s9;
	s0 =	simm.s32 @!p0 $0x0  }
0x12: {  	s1 =	sld [smem:$0x3F9D];
	s0 =	simm.s32 @p0 $0x1  }
0x13: {  	[smem:$0x3FB8] =	sst s0;
	s0 =	simm.s32 @!p1 $0x0  }
0x14: {  	s2 =	sld [smem:$0x3F9C];
	s0 =	simm.s32 @p1 $0x1  }
0x15: {  	[smem:$0x3FB9] =	sst s0;
	s0 =	simm.s32 @!p2 $0x0  }
0x16: {  	s3 =	sld [smem:$0x3FDB];
	s0 =	simm.s32 @p2 $0x1  }
0x17: {  	s4 =	simm.s32 $0x1BF5;
	[smem:$0x3FBB] =	sst s0  }
0x18: {  	s0 =	sld [smem:$0x3F9E];
	_ =	swait.ge [sflag:s4], $0x0  }
0x19: {  	s7 =	sld [smem:$0x3F9F]  }
0x1a: {  	s8 =	sadd.s32 $0xFFFFE003, lr  }
0x1b: {  	s9 =	sadd.s32 $0xFFFFFEF7, lr;
	s5 =	simm.s32 $0xFFFFFFFF;
	p2 =	slt.u32 s8, $0xFFFFF086  }
0x1c: {  	p1 =	slt.u32 s9, $0xF7A;
	s5 =	simm.s32 @!p2 $0x0  }
0x1d: {  	s5 =	simm.s32 @p1 $0x1;
	p0 =	seq.s32 s7, s2  }
0x1e: {  	s7 =	smul.u32 @!p0 $0xF7A, s2;
	p2 =	seq.s32 @!p0 s5, $0x0  }
0x1f: {  	s9 =	smul.u32 $0xF7A, s1;
	s8 =	simm.s32 @!p0 $0x1BF5;
	p2 =	por !p2, p0  }
0x20: {  	[sflag:s8] =	ssyncset.s32 @!p0 $0xFFFFF086;
	s6 =	sadd.s32 @!p0 s3, s7;
	s7 =	simm.s32 @!p0 $0x108  }
0x21: {  	s3 =	sadd.s32 s3, s9;
	s6 =	sadd.s32 @!p0 $0x88, s6;
	s7 =	simm.s32 @p2 $0x1082  }
0x22: {  	[simem:s7], [sflag:s8] =	dma.local @!p0 [hbm:s6], $0xF7A  }
0x23: {  	s9 =	sor.u32 $0xD0000000, s2;
	s6 =	simm.s32 $0x108;
	_ =	swait.ge @!p0 [sflag:s8], $0x0  }
0x24: {  	s3 =	sadd.s32 $0x88, s3;
	s6 =	simm.s32 @!p1 $0x1082;
	[sflag:s4] =	ssyncset.s32 $0xFFFFF086  }
0x25: {  	[simem:s6], [sflag:s4] =	dma.local [hbm:s3], $0xF7A  }
0x26: {  	[smem:$0x3F9F] =	sst s1;
	(tag) =	ssettag s2;
	_ =	strace s9  }
0x27: {  	s1 =	sld [smem:$0x3FAF]  }
0x28: {  	s2 =	sld [smem:$0x3FB0]  }
0x29: {  	s4 =	sld [smem:$0x3FB2]  }
0x2a: {  	p0 =	seq.s32 s5, $0x0;
	s5 =	sld [smem:$0x3FB3]  }
0x2b: {  	s6 =	sld [smem:$0x3FB4]  }
0x2c: {  	s7 =	sld [smem:$0x3FB5]  }
0x2d: {  	s3 =	simm.s32 $0x108;
	s8 =	sld [smem:$0x3FB6]  }
0x2e: {  	s3 =	simm.s32 @!p0 $0x1082;
	s9 =	sld [smem:$0x3FB7]  }
0x2f: {  	lr =	sadd.s32 s0, s3;
	s0 =	sld [smem:$0x3FAE]  }
0x30: {  	s3 =	sld [smem:$0x3FB1]  }
0x31: {  	[smem:$0x3FBA] =	sst s10  }
0x32: {  	s10 =	sld [smem:$0x3FB8];
	_ =	sdelay $0x3  }
0x33: {  	p0 =	seq.s32 s10, $0x1;
	s10 =	sld [smem:$0x3FBA];
	_ =	sdelay $0x3  }
0x34: {  	[smem:$0x3FBA] =	sst s10  }
0x35: {  	s10 =	sld [smem:$0x3FB9];
	_ =	sdelay $0x3  }
0x36: {  	p1 =	seq.s32 s10, $0x1;
	s10 =	sld [smem:$0x3FBA];
	_ =	sdelay $0x3  }
0x37: {  	[smem:$0x3FBA] =	sst s10  }
0x38: {  	s10 =	sld [smem:$0x3FBB]  }
0x39: {  	_ = 	snop;
	(pc) =	sbr.ind lr, $3  }
0x3a: {  	_ = 	snop  }
0x3b: {  	_ = 	snop  }
0x3c: {  	p2 =	seq.s32 s10, $0x1;
	s10 =	sld [smem:$0x3FBA]  }
0x3d: {  	_ =	shalt  }
0x3e: {  	_ =	shalt  }
0x3f: {  	_ =	shalt  }
0x40: {  	_ =	shalt  }
0x41: {  	_ =	shalt  }
0x42: {  	_ =	shalt  }
0x43: {  	_ =	shalt  }
0x44: {  	_ =	shalt  }
0x45: {  	_ =	shalt  }
0x46: {  	_ =	shalt  }
0x47: {  	_ =	shalt  }
0x48: {  	_ =	shalt  }
0x49: {  	_ =	shalt  }
0x4a: {  	_ =	shalt  }
0x4b: {  	_ =	shalt  }
0x4c: {  	_ =	shalt  }
0x4d: {  	_ =	shalt  }
0x4e: {  	_ =	shalt  }
0x4f: {  	_ =	shalt  }
0x50: {  	_ =	shalt  }
0x51: {  	_ =	shalt  }
0x52: {  	_ =	shalt  }
0x53: {  	_ =	shalt  }
0x54: {  	_ =	shalt  }
0x55: {  	_ =	shalt  }
0x56: {  	_ =	shalt  }
0x57: {  	_ =	shalt  }
0x58: {  	_ =	shalt  }
0x59: {  	_ =	shalt  }
0x5a: {  	_ =	shalt  }
0x5b: {  	_ =	shalt  }
0x5c: {  	_ =	shalt  }
0x5d: {  	_ =	shalt  }
0x5e: {  	_ =	shalt  }
0x5f: {  	_ =	shalt  }
0x60: {  	_ =	shalt  }
0x61: {  	_ =	shalt  }
0x62: {  	_ =	shalt  }
0x63: {  	_ =	shalt  }
0x64: {  	_ =	shalt  }
0x65: {  	_ =	shalt  }
0x66: {  	_ =	shalt  }
0x67: {  	_ =	shalt  }
0x68: {  	_ =	shalt  }
0x69: {  	_ =	shalt  }
0x6a: {  	_ =	shalt  }
0x6b: {  	_ =	shalt  }
0x6c: {  	_ =	shalt  }
0x6d: {  	_ =	shalt  }
0x6e: {  	_ =	shalt  }
0x6f: {  	_ =	shalt  }
0x70: {  	_ =	shalt  }
0x71: {  	_ =	shalt  }
0x72: {  	_ =	shalt  }
0x73: {  	_ =	shalt  }
0x74: {  	_ =	shalt  }
0x75: {  	_ =	shalt  }
0x76: {  	_ =	shalt  }
0x77: {  	_ =	shalt  }
0x78: {  	_ =	shalt  }
0x79: {  	_ =	shalt  }
0x7a: {  	_ =	shalt  }
0x7b: {  	_ =	shalt  }
0x7c: {  	_ =	shalt  }
0x7d: {  	_ =	shalt  }
0x7e: {  	_ =	shalt  }
0x7f: {  	_ =	shalt  }
0x80: {  	_ =	shalt  }
0x81: {  	_ =	shalt  }
0x82: {  	_ =	shalt  }
0x83: {  	_ =	shalt  }
0x84: {  	_ =	shalt  }
0x85: {  	_ =	shalt  }
0x86: {  	_ =	shalt  }
0x87: {  	_ =	shalt  }
.Lfunc_end0:
.L_simem_size_0:
called_computation.1_lowered:
.L_overlay_start_0:
0x88: {  	s2 =	sld [smem:$0x3FD9]  }
0x89: {  	s3 =	sld [smem:$0x3FFE];
	_ =	sdelay $0x1  }
0x8a: {  	s1 =	srdreg.scid  }
0x8b: {  	s0 =	sand.u32 $0x1, s1  }
0x8c: {  	s17 =	sshll.u32 s0, $0xA;
	s2 =	sadd.s32 s3, s2  }
0x8d: {  	s2 =	sadd.s32 s2, s17  }
0x8e: {  	[smem:$0x3FC6] =	sst s2  }
0x8f: {  	_ = 	snop  }
0x90: {  	s2 =	sld [smem:$0x3FD0];
	(tm) =	ssettm $0x1  }
0x91: {  	s18 =	sld [smem:$0x3FFB];
	_ =	sdelay $0x3  }
0x92: {  	_ =	strace s18  }
0x93: {  	s3 =	sld [smem:$0x3FFC];
	_ =	sdelay $0x3  }
0x94: {  	_ =	strace s3  }
0x95: {  	s3 =	sld [smem:$0x3FFD];
	_ =	sdelay $0x3  }
0x96: {  	_ =	strace s3  }
0x97: {  	_ =	strace $0x8FFFFFFF  }
0x98: {  	s19 =	sld [smem:$0x3FDB];
	_ =	sdelay $0x1  }
0x99: {  	s4 =	simm.s32 $_scs_section_size  }
0x9a: {  	s5 =	simm.s32 $_size__tile_overlayer_lowered;
	s6 =	simm.s32 $_tile_overlayer_lowered  }
0x9b: {  	s22 =	simm.s32 $0x1BFF;
	s21 =	sshll.u32 s6, $0x1;
	s3 =	sadd.s32 s4, s19  }
0x9c: {  	s7 =	simm.s32 $0x0;
	s20 =	sshll.u32 s5, $0x1;
	s5 =	sadd.s32 s21, s3  }
0x9d: {  	[timem:s7], [sflag:s22] =	dma.local [hbm:s5], s20  }
0x9e: {  	_ =	swait.ge [sflag:s22], s20  }
0x9f: {  	s4 =	ssub.s32 $0x0, s20;
	[sflag:s22] =	ssyncset.done $0x0  }
0xa0: {  	[sflag:s22] =	ssyncadd.s32 s4;
	_ =	sdelay $0x1  }
0xa1: {  	s23 =	simm.s32 $0x1B8B  }
0xa2: {  	_ =	swait.ge [sflag:s23], $0x1  }
0xa3: {  	[sflag:s23] =	ssyncset.done $0x0  }
0xa4: {  	s25 =	simm.s32 $0x1B8E;
	s24 =	sld [smem:$0x3FFE];
	[sflag:s23] =	ssyncadd.s32 $0xFFFFFFFF  }
0xa5: {  	s26 =	simm.s32 $execute0_lowered;
	[smem:$0x3FD2] =	sst s25  }
0xa6: {  	s5 =	sshll.u32 s26, $0x1;
	_ =	strace $0x80000046;
	[dreg:$0x1] =	wrdreg $0xFFFFFFFF  }
0xa7: {  	s28 =	simm.s32 $_size_execute0_lowered;
	s3 =	sadd.s32 s3, s5;
	[dreg:$0x0] =	wrdreg $0x0  }
0xa8: {  	s5 =	sshll.u32 s28, $0x1;
	[dreg:$0x2] =	wrdreg s3  }
0xa9: {  	[dreg:$0x3] =	wrdreg s5  }
0xaa: {  	[dreg:$0x4] =	wrdreg $0xC0  }
0xab: {  	_ =	task [dreg:s7], $0x5FFFF  }
0xac: {  	[dreg:$0x1] =	wrdreg $0xFFFFFFFF  }
0xad: {  	[dreg:$0x0] =	wrdreg $0x60  }
0xae: {  	[dreg:$0x2] =	wrdreg s24  }
0xaf: {  	[dreg:$0x3] =	wrdreg s2  }
0xb0: {  	[dreg:$0x4] =	wrdreg $0x9  }
0xb1: {  	_ =	task.clear_ibuf [dreg:s7], $0x5FFFF;
	_ =	strace $0x90000046  }
0xb2: {  	s29 =	simm.s32 $0x9;
	_ =	strace $0x80000048  }
0xb3: {  	_ =	swait.ge [sflag:s29], $0x1  }
0xb4: {  	[sflag:s29] =	ssyncadd.s32 $0xFFFFFFFF  }
0xb5: {  	_ =	strace $0x90000048  }
0xb6: {  	_ =	sfence  }
0xb7: {  	s30 =	sld [smem:$0x0];
	_ =	sdelay $0x2  }
0xb8: {  	s31 =	sshll.u32 s1, $0xD;
	s1 =	sshrl.u32 s1, $0x2  }
0xb9: {  	s3 =	sand.u32 $0x4000, s31;
	s1 =	sadd.s32 s1, s30  }
0xba: {  	s0 =	sor.u32 s3, s0;
	s1 =	sshll.u32 s1, $0x11  }
0xbb: {  	s0 =	sor.u32 s1, s0  }
0xbc: {  	s0 =	sadd.s32 $0x8F2B, s0  }
0xbd: {  	[sflag:s0] =	ssyncadd.remote.s32 $0x1  }
0xbe: {  	_ =	sfence.sel $0xFFFF  }
0xbf: {  	[dreg:$0x0] =	wrdreg $0xFFFFFFFF;
	(pc) =	sbr.abs _section_cstart, $3  }
0xc0: {  	[dreg:$0x1] =	wrdreg $0xFFFFFFFF  }
0xc1: {  	_ =	task.clear_ibuf [dreg:s7], $0x2FFFF;
	_ =	strace $0x9FFFFFFF  }
0xc2: {  	(tm) =	ssettm $0x7FFFFFFF  }
0xc3: {  	_ =	shalt  }
tec
execute0_lowered:
.L_overlay_start_1:
0x0: {  	(tag) =	ssettag $0x1  }
0x1: {  	s0 =	rddreg [dreg:$0x0]  }
0x2: {  	s1 =	srdreg.scid;
	s10 =	stileid.u32  }
0x3: {  	s8 =	rddreg [dreg:$0x1];
	s16 =	smul.u32 $0x64000, s10  }
0x4: {  	s3 =	simm.s32 $0x0;
	s1 =	sand.u32 $0x1, s1;
	s19 =	smul.u32 $0x190, s10  }
0x5: {  	s28 =	simm.s32 $0x1;
	s2 =	sshll.u32 s10, $0x1;
	s20 =	smul.u32 $0xC8, s1  }
0x6: {  	s2 =	sor.u32 s1, s2;
	s5 =	ssub.s32 $0x2, s1;
	s1 =	smul.u32 $0x32000, s1  }
0x7: {  	s30 =	simm.s32 $0x10400;
	s31 =	simm.s32 $0x18400;
	s4 =	smul.u32 $0xC80, s2  }
0x8: {  	s29 =	simm.s32 $0x4;
	[smem:$0x7FF] =	sst s3;
	s9 =	smul.u32 $0x32000, s2  }
0x9: {  	_ =	strace $0x80000047;
	s7 =	sshrl.u32 s5, $0x1;
	s2 =	smul.u32 $0x190000, s2  }
0xa: {  	s12 =	ssub.s32 s5, s7;
	s7 =	sadd.s32 s20, s19;
	s1 =	sadd.s32 s1, s16  }
0xb: {  	s19 =	simm.s32 $0x6400;
	s20 =	simm.s32 $0x8400;
	s5 =	simm.s32 $0x0  }
0xc: {  	s6 =	sadd.s32 s4, s0;
	s4 =	sadd.s32 $0xF42E00, s0;
	s2 =	sshrl.u32 s2, $0x3  }
0xd: {  	s24 =	sshll.u32 s7, $0xA;
	[dreg:$0x3] =	wrdreg s1;
	s16 =	smax.u32 s12, $0x1  }
0xe: {  	s1 =	simm.s32 $0x12400;
	s0 =	simm.s32 $0x2;
	s15 =	sadd.s32 $0xA00, s6  }
0xf: {  	s6 =	sadd.s32 s8, s9;
	s25 =	sor.u32 $0x1400, s24;
	[dreg:$0x6] =	wrdreg s15  }
0x10: {  	s2 =	sadd.s32 s8, s2;
	s26 =	sadd.s32 $0x2800, s24;
	[dreg:$0x4] =	wrdreg s25  }
0x11: {  	s24 =	simm.s32 $0xC400;
	s17 =	sadd.s32 $0x400, s6;
	[dreg:$0x5] =	wrdreg s26  }
0x12: {  	s18 =	sadd.s32 $0x800, s6;
	s9 =	sadd.s32 $0xC00, s6;
	[dreg:$0x7] =	wrdreg s17  }
0x13: {  	s21 =	sadd.s32 $0x1000, s6;
	s22 =	sadd.s32 $0x30C00, s2;
	[dreg:$0x8] =	wrdreg s18  }
0x14: {  	s23 =	sadd.s32 $0x31000, s2;
	s13 =	sadd.s32 $0x31400, s2;
	[dreg:$0x9] =	wrdreg s9  }
0x15: {  	s14 =	sadd.s32 $0x31800, s2;
	s15 =	sadd.s32 $0x31C00, s2;
	[dreg:$0xa] =	wrdreg s21  }
0x16: {  	s26 =	simm.s32 $0xE400;
	s25 =	simm.s32 $0x16400;
	[dreg:$0xb] =	wrdreg s22  }
0x17: {  	[dreg:$0xc] =	wrdreg s23;
	s17 =	simm.s32 $0x5;
	s18 =	simm.s32 $0x80  }
0x18: {  	s22 =	simm.s32 $0xA400;
	s21 =	simm.s32 $0x14400;
	s23 =	simm.s32 $0x3  }
.LBB2_1:
0x19: {  	s2 =	rddreg [dreg:$0x6]  }
0x1a: {  	[tilespmem:s3], [sflag:$0x5] =	stream.linear.gather [hbm4b:s2+s3], $0x6400, $0x38;
	[tilespmem:$0x1A400] =	vst v63  }
0x1b: {  	_ =	swait.ge [sflag:s17], $0x6400  }
0x1c: {  	[sflag:s17] =	ssyncset.done $0x0  }
0x1d: {  	[sflag:s17] =	ssyncadd.s32 $0xFFFF9C00  }
0x1e: {  	[tilespmem:s19], [sflag:$0x1] =	stream.indirect.gather [hbm4b:s4+s18], $0x40, s3, s18, $0xb8;
	[tilespmem:$0x1A400] =	vst v63  }
0x1f: {  	_ = 	snop  }
0x20: {  	[tilespmem:s20], [sflag:$0x1] =	stream.indirect.gather [hbm4b:s4+s18], $0x40, s18, s18, $0xb8;
	[tilespmem:$0x1A400] =	vst v63  }
0x21: {  	s12 =	simm.s32 $0x100  }
0x22: {  	[tilespmem:s22], [sflag:$0x1] =	stream.indirect.gather [hbm4b:s4+s18], $0x40, s12, s18, $0xb8;
	[tilespmem:$0x1A400] =	vst v63  }
0x23: {  	s7 =	simm.s32 $0x180  }
0x24: {  	[tilespmem:s24], [sflag:$0x1] =	stream.indirect.gather [hbm4b:s4+s18], $0x40, s7, s18, $0xb8;
	[tilespmem:$0x1A400] =	vst v63  }
0x25: {  	s9 =	simm.s32 $0x200  }
0x26: {  	[tilespmem:s26], [sflag:$0x1] =	stream.indirect.gather [hbm4b:s4+s18], $0x40, s9, s18, $0xb8;
	[tilespmem:$0x1A400] =	vst v63  }
0x27: {  	_ =	swait.ge [sflag:s28], $0x2000  }
0x28: {  	[sflag:s28] =	ssyncset.done $0x0  }
0x29: {  	[sflag:s28] =	ssyncadd.s32 $0xFFFFE000  }
0x2a: {  	_ =	swait.ge [sflag:s28], $0x2000  }
0x2b: {  	[sflag:s28] =	ssyncset.done $0x0  }
0x2c: {  	[sflag:s28] =	ssyncadd.s32 $0xFFFFE000  }
0x2d: {  	_ =	swait.ge [sflag:s28], $0x2000  }
0x2e: {  	[sflag:s28] =	ssyncset.done $0x0  }
0x2f: {  	[sflag:s28] =	ssyncadd.s32 $0xFFFFE000  }
0x30: {  	_ =	swait.ge [sflag:s28], $0x2000  }
0x31: {  	[sflag:s28] =	ssyncset.done $0x0  }
0x32: {  	[sflag:s28] =	ssyncadd.s32 $0xFFFFE000  }
0x33: {  	_ =	swait.ge [sflag:s28], $0x2000  }
0x34: {  	[sflag:s28] =	ssyncset.done $0x0  }
0x35: {  	[sflag:s28] =	ssyncadd.s32 $0xFFFFE000  }
0x36: {  	[hbm4b:s6+s3] =	stream.linear.scatter [tilespmem:s19], [sflag:$0x3], $0x2000, $0x38;
	[tilespmem:$0x1A400] =	vst v63  }
0x37: {  	s10 =	rddreg [dreg:$0x7]  }
0x38: {  	[hbm4b:s10+s3] =	stream.linear.scatter [tilespmem:s20], [sflag:$0x3], $0x2000, $0x38;
	[tilespmem:$0x1A400] =	vst v63  }
0x39: {  	s11 =	rddreg [dreg:$0x8]  }
0x3a: {  	[hbm4b:s11+s3] =	stream.linear.scatter [tilespmem:s22], [sflag:$0x3], $0x2000, $0x38;
	[tilespmem:$0x1A400] =	vst v63  }
0x3b: {  	s12 =	rddreg [dreg:$0x9]  }
0x3c: {  	[hbm4b:s12+s3] =	stream.linear.scatter [tilespmem:s24], [sflag:$0x3], $0x2000, $0x38;
	[tilespmem:$0x1A400] =	vst v63  }
0x3d: {  	s7 =	rddreg [dreg:$0xa]  }
0x3e: {  	[hbm4b:s7+s3] =	stream.linear.scatter [tilespmem:s26], [sflag:$0x3], $0x2000, $0x38;
	[tilespmem:$0x1A400] =	vst v63  }
0x3f: {  	s9 =	simm.s32 $0x280  }
0x40: {  	[tilespmem:s30], [sflag:$0x2] =	stream.indirect.gather [hbm4b:s4+s18], $0x40, s9, s18, $0xb8;
	[tilespmem:$0x1A400] =	vst v63  }
0x41: {  	s10 =	simm.s32 $0x300  }
0x42: {  	[tilespmem:s1], [sflag:$0x2] =	stream.indirect.gather [hbm4b:s4+s18], $0x40, s10, s18, $0xb8;
	[tilespmem:$0x1A400] =	vst v63  }
0x43: {  	s11 =	simm.s32 $0x380  }
0x44: {  	[tilespmem:s21], [sflag:$0x2] =	stream.indirect.gather [hbm4b:s4+s18], $0x40, s11, s18, $0xb8;
	[tilespmem:$0x1A400] =	vst v63  }
0x45: {  	s12 =	simm.s32 $0x400  }
0x46: {  	[tilespmem:s25], [sflag:$0x2] =	stream.indirect.gather [hbm4b:s4+s18], $0x40, s12, s18, $0xb8;
	[tilespmem:$0x1A400] =	vst v63  }
0x47: {  	s7 =	simm.s32 $0x480  }
0x48: {  	[tilespmem:s31], [sflag:$0x2] =	stream.indirect.gather [hbm4b:s4+s18], $0x40, s7, s18, $0xb8;
	[tilespmem:$0x1A400] =	vst v63  }
0x49: {  	_ =	swait.ge [sflag:s0], $0x2000  }
0x4a: {  	[sflag:s0] =	ssyncset.done $0x0  }
0x4b: {  	[sflag:s0] =	ssyncadd.s32 $0xFFFFE000  }
0x4c: {  	_ =	swait.ge [sflag:s0], $0x2000  }
0x4d: {  	[sflag:s0] =	ssyncset.done $0x0  }
0x4e: {  	[sflag:s0] =	ssyncadd.s32 $0xFFFFE000  }
0x4f: {  	_ =	swait.ge [sflag:s0], $0x2000  }
0x50: {  	[sflag:s0] =	ssyncset.done $0x0  }
0x51: {  	[sflag:s0] =	ssyncadd.s32 $0xFFFFE000  }
0x52: {  	_ =	swait.ge [sflag:s0], $0x2000  }
0x53: {  	[sflag:s0] =	ssyncset.done $0x0  }
0x54: {  	[sflag:s0] =	ssyncadd.s32 $0xFFFFE000  }
0x55: {  	_ =	swait.ge [sflag:s0], $0x2000  }
0x56: {  	s9 =	rddreg [dreg:$0x4];
	[sflag:s0] =	ssyncset.done $0x0  }
0x57: {  	s7 =	rddreg [dreg:$0x3];
	[sflag:s0] =	ssyncadd.s32 $0xFFFFE000;
	s2 =	sadd.s32 s8, s9  }
0x58: {  	[hbm4b:s2+s3] =	stream.linear.scatter [tilespmem:s30], [sflag:$0x4], $0x2000, $0x38;
	[tilespmem:$0x1A400] =	vst v63  }
0x59: {  	s2 =	sadd.s32 s8, s7  }
0x5a: {  	s7 =	sadd.s32 $0x1800, s2  }
0x5b: {  	[hbm4b:s7+s3] =	stream.linear.scatter [tilespmem:s1], [sflag:$0x4], $0x2000, $0x38;
	[tilespmem:$0x1A400] =	vst v63  }
0x5c: {  	s10 =	sadd.s32 $0x1C00, s2  }
0x5d: {  	[hbm4b:s10+s3] =	stream.linear.scatter [tilespmem:s21], [sflag:$0x4], $0x2000, $0x38;
	[tilespmem:$0x1A400] =	vst v63  }
0x5e: {  	s11 =	sadd.s32 $0x2000, s2  }
0x5f: {  	[hbm4b:s11+s3] =	stream.linear.scatter [tilespmem:s25], [sflag:$0x4], $0x2000, $0x38;
	[tilespmem:$0x1A400] =	vst v63  }
0x60: {  	s12 =	sadd.s32 $0x2400, s2  }
0x61: {  	[hbm4b:s12+s3] =	stream.linear.scatter [tilespmem:s31], [sflag:$0x4], $0x2000, $0x38;
	[tilespmem:$0x1A400] =	vst v63  }
0x62: {  	_ =	swait.ge [sflag:s23], $0x2000  }
0x63: {  	[sflag:s23] =	ssyncset.done $0x0  }
0x64: {  	[sflag:s23] =	ssyncadd.s32 $0xFFFFE000  }
0x65: {  	_ =	swait.ge [sflag:s23], $0x2000  }
0x66: {  	[sflag:s23] =	ssyncset.done $0x0  }
0x67: {  	[sflag:s23] =	ssyncadd.s32 $0xFFFFE000  }
0x68: {  	_ =	swait.ge [sflag:s23], $0x2000  }
0x69: {  	[sflag:s23] =	ssyncset.done $0x0  }
0x6a: {  	[sflag:s23] =	ssyncadd.s32 $0xFFFFE000  }
0x6b: {  	_ =	swait.ge [sflag:s23], $0x2000  }
0x6c: {  	[sflag:s23] =	ssyncset.done $0x0  }
0x6d: {  	[sflag:s23] =	ssyncadd.s32 $0xFFFFE000  }
0x6e: {  	_ =	swait.ge [sflag:s23], $0x2000  }
0x6f: {  	[sflag:s23] =	ssyncset.done $0x0  }
0x70: {  	s9 =	simm.s32 $0x500;
	[sflag:s23] =	ssyncadd.s32 $0xFFFFE000  }
0x71: {  	[tilespmem:s19], [sflag:$0x1] =	stream.indirect.gather [hbm4b:s4+s18], $0x40, s9, s18, $0xb8;
	[tilespmem:$0x1A400] =	vst v63  }
0x72: {  	s10 =	simm.s32 $0x580  }
0x73: {  	[tilespmem:s20], [sflag:$0x1] =	stream.indirect.gather [hbm4b:s4+s18], $0x40, s10, s18, $0xb8;
	[tilespmem:$0x1A400] =	vst v63  }
0x74: {  	s11 =	simm.s32 $0x600  }
0x75: {  	[tilespmem:s22], [sflag:$0x1] =	stream.indirect.gather [hbm4b:s4+s18], $0x40, s11, s18, $0xb8;
	[tilespmem:$0x1A400] =	vst v63  }
0x76: {  	s12 =	simm.s32 $0x680  }
0x77: {  	[tilespmem:s24], [sflag:$0x1] =	stream.indirect.gather [hbm4b:s4+s18], $0x40, s12, s18, $0xb8;
	[tilespmem:$0x1A400] =	vst v63  }
0x78: {  	s9 =	simm.s32 $0x700  }
0x79: {  	[tilespmem:s26], [sflag:$0x1] =	stream.indirect.gather [hbm4b:s4+s18], $0x40, s9, s18, $0xb8;
	[tilespmem:$0x1A400] =	vst v63  }
0x7a: {  	_ =	swait.ge [sflag:s28], $0x2000  }
0x7b: {  	[sflag:s28] =	ssyncset.done $0x0  }
0x7c: {  	[sflag:s28] =	ssyncadd.s32 $0xFFFFE000  }
0x7d: {  	_ =	swait.ge [sflag:s28], $0x2000  }
0x7e: {  	[sflag:s28] =	ssyncset.done $0x0  }
0x7f: {  	[sflag:s28] =	ssyncadd.s32 $0xFFFFE000  }
0x80: {  	_ =	swait.ge [sflag:s28], $0x2000  }
0x81: {  	[sflag:s28] =	ssyncset.done $0x0  }
0x82: {  	[sflag:s28] =	ssyncadd.s32 $0xFFFFE000  }
0x83: {  	_ =	swait.ge [sflag:s28], $0x2000  }
0x84: {  	[sflag:s28] =	ssyncset.done $0x0  }
0x85: {  	[sflag:s28] =	ssyncadd.s32 $0xFFFFE000  }
0x86: {  	_ =	swait.ge [sflag:s28], $0x2000  }
0x87: {  	s10 =	rddreg [dreg:$0x5];
	[sflag:s28] =	ssyncset.done $0x0  }
0x88: {  	[sflag:s28] =	ssyncadd.s32 $0xFFFFE000;
	s7 =	sadd.s32 s8, s10  }
0x89: {  	[hbm4b:s7+s3] =	stream.linear.scatter [tilespmem:s19], [sflag:$0x3], $0x2000, $0x38;
	[tilespmem:$0x1A400] =	vst v63  }
0x8a: {  	s7 =	sadd.s32 $0x400, s7  }
0x8b: {  	[hbm4b:s7+s3] =	stream.linear.scatter [tilespmem:s20], [sflag:$0x3], $0x2000, $0x38;
	[tilespmem:$0x1A400] =	vst v63  }
0x8c: {  	s11 =	sadd.s32 $0x3000, s2  }
0x8d: {  	[hbm4b:s11+s3] =	stream.linear.scatter [tilespmem:s22], [sflag:$0x3], $0x2000, $0x38;
	[tilespmem:$0x1A400] =	vst v63  }
0x8e: {  	s12 =	sadd.s32 $0x3400, s2  }
0x8f: {  	[hbm4b:s12+s3] =	stream.linear.scatter [tilespmem:s24], [sflag:$0x3], $0x2000, $0x38;
	[tilespmem:$0x1A400] =	vst v63  }
0x90: {  	s2 =	sadd.s32 $0x3800, s2  }
0x91: {  	[hbm4b:s2+s3] =	stream.linear.scatter [tilespmem:s26], [sflag:$0x3], $0x2000, $0x38;
	[tilespmem:$0x1A400] =	vst v63  }
0x92: {  	_ =	swait.ge [sflag:s29], $0x2000  }
0x93: {  	[sflag:s29] =	ssyncset.done $0x0  }
0x94: {  	[sflag:s29] =	ssyncadd.s32 $0xFFFFE000  }
0x95: {  	_ =	swait.ge [sflag:s29], $0x2000  }
0x96: {  	[sflag:s29] =	ssyncset.done $0x0  }
0x97: {  	[sflag:s29] =	ssyncadd.s32 $0xFFFFE000  }
0x98: {  	_ =	swait.ge [sflag:s29], $0x2000  }
0x99: {  	[sflag:s29] =	ssyncset.done $0x0  }
0x9a: {  	[sflag:s29] =	ssyncadd.s32 $0xFFFFE000  }
0x9b: {  	_ =	swait.ge [sflag:s29], $0x2000  }
0x9c: {  	[sflag:s29] =	ssyncset.done $0x0  }
0x9d: {  	[sflag:s29] =	ssyncadd.s32 $0xFFFFE000  }
0x9e: {  	_ =	swait.ge [sflag:s29], $0x2000  }
0x9f: {  	[sflag:s29] =	ssyncset.done $0x0  }
0xa0: {  	s9 =	simm.s32 $0x780;
	[sflag:s29] =	ssyncadd.s32 $0xFFFFE000  }
0xa1: {  	[tilespmem:s30], [sflag:$0x2] =	stream.indirect.gather [hbm4b:s4+s18], $0x40, s9, s18, $0xb8;
	[tilespmem:$0x1A400] =	vst v63  }
0xa2: {  	s10 =	simm.s32 $0x800  }
0xa3: {  	[tilespmem:s1], [sflag:$0x2] =	stream.indirect.gather [hbm4b:s4+s18], $0x40, s10, s18, $0xb8;
	[tilespmem:$0x1A400] =	vst v63  }
0xa4: {  	s7 =	simm.s32 $0x1400;
	s11 =	simm.s32 $0x880  }
0xa5: {  	[tilespmem:s21], [sflag:$0x2] =	stream.indirect.gather [hbm4b:s4+s18], $0x40, s11, s18, $0xb8;
	[tilespmem:$0x1A400] =	vst v63  }
0xa6: {  	s12 =	simm.s32 $0x900;
	s2 =	smov.u32 s8;
	s10 =	simm.s32 $0x980  }
0xa7: {  	[tilespmem:s25], [sflag:$0x2] =	stream.indirect.gather [hbm4b:s4+s18], $0x40, s12, s18, $0xb8;
	[tilespmem:$0x1A400] =	vst v63  }
.LBB2_2:
0xa8: {  	[tilespmem:s31], [sflag:$0x2] =	stream.indirect.gather [hbm4b:s4+s18], $0x40, s10, s18, $0xb8;
	[tilespmem:$0x1A400] =	vst v63  }
0xa9: {  	_ =	swait.ge [sflag:s0], $0x2000  }
0xaa: {  	[sflag:s0] =	ssyncset.done $0x0  }
0xab: {  	[sflag:s0] =	ssyncadd.s32 $0xFFFFE000  }
0xac: {  	_ =	swait.ge [sflag:s0], $0x2000  }
0xad: {  	[sflag:s0] =	ssyncset.done $0x0  }
0xae: {  	[sflag:s0] =	ssyncadd.s32 $0xFFFFE000  }
0xaf: {  	_ =	swait.ge [sflag:s0], $0x2000  }
0xb0: {  	[sflag:s0] =	ssyncset.done $0x0  }
0xb1: {  	[sflag:s0] =	ssyncadd.s32 $0xFFFFE000  }
0xb2: {  	_ =	swait.ge [sflag:s0], $0x2000  }
0xb3: {  	[sflag:s0] =	ssyncset.done $0x0  }
0xb4: {  	[sflag:s0] =	ssyncadd.s32 $0xFFFFE000  }
0xb5: {  	_ =	swait.ge [sflag:s0], $0x2000  }
0xb6: {  	s2 =	sadd.s32 $0x2800, s2;
	s12 =	rddreg [dreg:$0x4];
	[sflag:s0] =	ssyncset.done $0x0  }
0xb7: {  	s11 =	rddreg [dreg:$0x3];
	[sflag:s0] =	ssyncadd.s32 $0xFFFFE000;
	s10 =	sadd.s32 s2, s12  }
0xb8: {  	[hbm4b:s10+s3] =	stream.linear.scatter [tilespmem:s30], [sflag:$0x4], $0x2000, $0x38;
	[tilespmem:$0x1A400] =	vst v63  }
0xb9: {  	s10 =	sadd.s32 s2, s11  }
0xba: {  	s11 =	sadd.s32 $0x1800, s10  }
0xbb: {  	[hbm4b:s11+s3] =	stream.linear.scatter [tilespmem:s1], [sflag:$0x4], $0x2000, $0x38;
	[tilespmem:$0x1A400] =	vst v63  }
0xbc: {  	s12 =	sadd.s32 $0x1C00, s10  }
0xbd: {  	[hbm4b:s12+s3] =	stream.linear.scatter [tilespmem:s21], [sflag:$0x4], $0x2000, $0x38;
	[tilespmem:$0x1A400] =	vst v63  }
0xbe: {  	s11 =	sadd.s32 $0x2000, s10  }
0xbf: {  	[hbm4b:s11+s3] =	stream.linear.scatter [tilespmem:s25], [sflag:$0x4], $0x2000, $0x38;
	[tilespmem:$0x1A400] =	vst v63  }
0xc0: {  	s12 =	sadd.s32 $0x2400, s10  }
0xc1: {  	[hbm4b:s12+s3] =	stream.linear.scatter [tilespmem:s31], [sflag:$0x4], $0x2000, $0x38;
	[tilespmem:$0x1A400] =	vst v63  }
0xc2: {  	_ =	swait.ge [sflag:s23], $0x2000  }
0xc3: {  	[sflag:s23] =	ssyncset.done $0x0  }
0xc4: {  	[sflag:s23] =	ssyncadd.s32 $0xFFFFE000  }
0xc5: {  	_ =	swait.ge [sflag:s23], $0x2000  }
0xc6: {  	[sflag:s23] =	ssyncset.done $0x0  }
0xc7: {  	[sflag:s23] =	ssyncadd.s32 $0xFFFFE000  }
0xc8: {  	_ =	swait.ge [sflag:s23], $0x2000  }
0xc9: {  	[sflag:s23] =	ssyncset.done $0x0  }
0xca: {  	[sflag:s23] =	ssyncadd.s32 $0xFFFFE000  }
0xcb: {  	_ =	swait.ge [sflag:s23], $0x2000  }
0xcc: {  	[sflag:s23] =	ssyncset.done $0x0  }
0xcd: {  	[sflag:s23] =	ssyncadd.s32 $0xFFFFE000  }
0xce: {  	s9 =	smov.u32 s7;
	_ =	swait.ge [sflag:s23], $0x2000  }
0xcf: {  	s9 =	sshra.s32 s9, $0x2;
	[sflag:s23] =	ssyncset.done $0x0  }
0xd0: {  	s11 =	sadd.s32 $0x500, s9;
	[sflag:s23] =	ssyncadd.s32 $0xFFFFE000  }
0xd1: {  	[tilespmem:s19], [sflag:$0x1] =	stream.indirect.gather [hbm4b:s4+s18], $0x40, s11, s18, $0xb8;
	[tilespmem:$0x1A400] =	vst v63  }
0xd2: {  	s12 =	sadd.s32 $0x580, s9  }
0xd3: {  	[tilespmem:s20], [sflag:$0x1] =	stream.indirect.gather [hbm4b:s4+s18], $0x40, s12, s18, $0xb8;
	[tilespmem:$0x1A400] =	vst v63  }
0xd4: {  	s11 =	sadd.s32 $0x600, s9  }
0xd5: {  	[tilespmem:s22], [sflag:$0x1] =	stream.indirect.gather [hbm4b:s4+s18], $0x40, s11, s18, $0xb8;
	[tilespmem:$0x1A400] =	vst v63  }
0xd6: {  	s12 =	sadd.s32 $0x680, s9  }
0xd7: {  	[tilespmem:s24], [sflag:$0x1] =	stream.indirect.gather [hbm4b:s4+s18], $0x40, s12, s18, $0xb8;
	[tilespmem:$0x1A400] =	vst v63  }
0xd8: {  	s11 =	sadd.s32 $0x700, s9  }
0xd9: {  	[tilespmem:s26], [sflag:$0x1] =	stream.indirect.gather [hbm4b:s4+s18], $0x40, s11, s18, $0xb8;
	[tilespmem:$0x1A400] =	vst v63  }
0xda: {  	_ =	swait.ge [sflag:s28], $0x2000  }
0xdb: {  	[sflag:s28] =	ssyncset.done $0x0  }
0xdc: {  	[sflag:s28] =	ssyncadd.s32 $0xFFFFE000  }
0xdd: {  	_ =	swait.ge [sflag:s28], $0x2000  }
0xde: {  	[sflag:s28] =	ssyncset.done $0x0  }
0xdf: {  	[sflag:s28] =	ssyncadd.s32 $0xFFFFE000  }
0xe0: {  	_ =	swait.ge [sflag:s28], $0x2000  }
0xe1: {  	[sflag:s28] =	ssyncset.done $0x0  }
0xe2: {  	[sflag:s28] =	ssyncadd.s32 $0xFFFFE000  }
0xe3: {  	_ =	swait.ge [sflag:s28], $0x2000  }
0xe4: {  	[sflag:s28] =	ssyncset.done $0x0  }
0xe5: {  	[sflag:s28] =	ssyncadd.s32 $0xFFFFE000  }
0xe6: {  	_ =	swait.ge [sflag:s28], $0x2000  }
0xe7: {  	s12 =	rddreg [dreg:$0x5];
	[sflag:s28] =	ssyncset.done $0x0  }
0xe8: {  	[sflag:s28] =	ssyncadd.s32 $0xFFFFE000;
	s11 =	sadd.s32 s2, s12  }
0xe9: {  	[hbm4b:s11+s3] =	stream.linear.scatter [tilespmem:s19], [sflag:$0x3], $0x2000, $0x38;
	[tilespmem:$0x1A400] =	vst v63  }
0xea: {  	s11 =	sadd.s32 $0x400, s11  }
0xeb: {  	[hbm4b:s11+s3] =	stream.linear.scatter [tilespmem:s20], [sflag:$0x3], $0x2000, $0x38;
	[tilespmem:$0x1A400] =	vst v63  }
0xec: {  	s12 =	sadd.s32 $0x3000, s10  }
0xed: {  	[hbm4b:s12+s3] =	stream.linear.scatter [tilespmem:s22], [sflag:$0x3], $0x2000, $0x38;
	[tilespmem:$0x1A400] =	vst v63  }
0xee: {  	s11 =	sadd.s32 $0x3400, s10  }
0xef: {  	[hbm4b:s11+s3] =	stream.linear.scatter [tilespmem:s24], [sflag:$0x3], $0x2000, $0x38;
	[tilespmem:$0x1A400] =	vst v63  }
0xf0: {  	s10 =	sadd.s32 $0x3800, s10  }
0xf1: {  	[hbm4b:s10+s3] =	stream.linear.scatter [tilespmem:s26], [sflag:$0x3], $0x2000, $0x38;
	[tilespmem:$0x1A400] =	vst v63  }
0xf2: {  	_ =	swait.ge [sflag:s29], $0x2000  }
0xf3: {  	[sflag:s29] =	ssyncset.done $0x0  }
0xf4: {  	[sflag:s29] =	ssyncadd.s32 $0xFFFFE000  }
0xf5: {  	_ =	swait.ge [sflag:s29], $0x2000  }
0xf6: {  	[sflag:s29] =	ssyncset.done $0x0  }
0xf7: {  	[sflag:s29] =	ssyncadd.s32 $0xFFFFE000  }
0xf8: {  	_ =	swait.ge [sflag:s29], $0x2000  }
0xf9: {  	[sflag:s29] =	ssyncset.done $0x0  }
0xfa: {  	[sflag:s29] =	ssyncadd.s32 $0xFFFFE000  }
0xfb: {  	_ =	swait.ge [sflag:s29], $0x2000  }
0xfc: {  	[sflag:s29] =	ssyncset.done $0x0  }
0xfd: {  	[sflag:s29] =	ssyncadd.s32 $0xFFFFE000  }
0xfe: {  	_ =	swait.ge [sflag:s29], $0x2000  }
0xff: {  	[sflag:s29] =	ssyncset.done $0x0  }
0x100: {  	s11 =	sadd.s32 $0x780, s9;
	[sflag:s29] =	ssyncadd.s32 $0xFFFFE000  }
0x101: {  	[tilespmem:s30], [sflag:$0x2] =	stream.indirect.gather [hbm4b:s4+s18], $0x40, s11, s18, $0xb8;
	[tilespmem:$0x1A400] =	vst v63  }
0x102: {  	p0 =	sne.s32 s7, $0x16800;
	s12 =	sadd.s32 $0x800, s9  }
0x103: {  	[tilespmem:s1], [sflag:$0x2] =	stream.indirect.gather [hbm4b:s4+s18], $0x40, s12, s18, $0xb8;
	[tilespmem:$0x1A400] =	vst v63  }
.Ltmp0:
0x104: {  	_ = 	snop;
	(pc) =	sbr.rel @p0 .LBB2_2-.Ltmp0, $4  }
0x105: {  	s10 =	sadd.s32 $0x880, s9  }
0x106: {  	[tilespmem:s21], [sflag:$0x2] =	stream.indirect.gather [hbm4b:s4+s18], $0x40, s10, s18, $0xb8;
	[tilespmem:$0x1A400] =	vst v63  }
0x107: {  	s7 =	sadd.s32 $0x1400, s7;
	s12 =	sadd.s32 $0x900, s9;
	s10 =	sadd.s32 $0x980, s9  }
0x108: {  	[tilespmem:s25], [sflag:$0x2] =	stream.indirect.gather [hbm4b:s4+s18], $0x40, s12, s18, $0xb8;
	[tilespmem:$0x1A400] =	vst v63  }
0x109: {  	[tilespmem:s31], [sflag:$0x2] =	stream.indirect.gather [hbm4b:s4+s18], $0x40, s10, s18, $0xb8;
	[tilespmem:$0x1A400] =	vst v63  }
0x10a: {  	_ =	swait.ge [sflag:s0], $0x2000  }
0x10b: {  	[sflag:s0] =	ssyncset.done $0x0  }
0x10c: {  	[sflag:s0] =	ssyncadd.s32 $0xFFFFE000  }
0x10d: {  	_ =	swait.ge [sflag:s0], $0x2000  }
0x10e: {  	[sflag:s0] =	ssyncset.done $0x0  }
0x10f: {  	[sflag:s0] =	ssyncadd.s32 $0xFFFFE000  }
0x110: {  	_ =	swait.ge [sflag:s0], $0x2000  }
0x111: {  	[sflag:s0] =	ssyncset.done $0x0  }
0x112: {  	[sflag:s0] =	ssyncadd.s32 $0xFFFFE000  }
0x113: {  	_ =	swait.ge [sflag:s0], $0x2000  }
0x114: {  	[sflag:s0] =	ssyncset.done $0x0  }
0x115: {  	[sflag:s0] =	ssyncadd.s32 $0xFFFFE000  }
0x116: {  	_ =	swait.ge [sflag:s0], $0x2000  }
0x117: {  	[sflag:s0] =	ssyncset.done $0x0  }
0x118: {  	s2 =	rddreg [dreg:$0xb];
	[sflag:s0] =	ssyncadd.s32 $0xFFFFE000  }
0x119: {  	[hbm4b:s2+s3] =	stream.linear.scatter [tilespmem:s30], [sflag:$0x4], $0x2000, $0x38;
	[tilespmem:$0x1A400] =	vst v63  }
0x11a: {  	s12 =	rddreg [dreg:$0xc]  }
0x11b: {  	[hbm4b:s12+s3] =	stream.linear.scatter [tilespmem:s1], [sflag:$0x4], $0x2000, $0x38;
	[tilespmem:$0x1A400] =	vst v63  }
0x11c: {  	_ = 	snop  }
0x11d: {  	[hbm4b:s13+s3] =	stream.linear.scatter [tilespmem:s21], [sflag:$0x4], $0x2000, $0x38;
	[tilespmem:$0x1A400] =	vst v63  }
0x11e: {  	_ = 	snop  }
0x11f: {  	[hbm4b:s14+s3] =	stream.linear.scatter [tilespmem:s25], [sflag:$0x4], $0x2000, $0x38;
	[tilespmem:$0x1A400] =	vst v63  }
0x120: {  	_ = 	snop  }
0x121: {  	[hbm4b:s15+s3] =	stream.linear.scatter [tilespmem:s31], [sflag:$0x4], $0x2000, $0x38;
	[tilespmem:$0x1A400] =	vst v63  }
0x122: {  	_ =	swait.ge [sflag:s23], $0x2000  }
0x123: {  	[sflag:s23] =	ssyncset.done $0x0  }
0x124: {  	[sflag:s23] =	ssyncadd.s32 $0xFFFFE000  }
0x125: {  	_ =	swait.ge [sflag:s23], $0x2000  }
0x126: {  	[sflag:s23] =	ssyncset.done $0x0  }
0x127: {  	[sflag:s23] =	ssyncadd.s32 $0xFFFFE000  }
0x128: {  	_ =	swait.ge [sflag:s23], $0x2000  }
0x129: {  	[sflag:s23] =	ssyncset.done $0x0  }
0x12a: {  	[sflag:s23] =	ssyncadd.s32 $0xFFFFE000  }
0x12b: {  	_ =	swait.ge [sflag:s23], $0x2000  }
0x12c: {  	[sflag:s23] =	ssyncset.done $0x0  }
0x12d: {  	[sflag:s23] =	ssyncadd.s32 $0xFFFFE000  }
0x12e: {  	_ =	swait.ge [sflag:s23], $0x2000  }
0x12f: {  	[sflag:s23] =	ssyncset.done $0x0  }
0x130: {  	[sflag:s23] =	ssyncadd.s32 $0xFFFFE000  }
0x131: {  	_ =	swait.ge [sflag:s29], $0x2000  }
0x132: {  	[sflag:s29] =	ssyncset.done $0x0  }
0x133: {  	[sflag:s29] =	ssyncadd.s32 $0xFFFFE000  }
0x134: {  	_ =	swait.ge [sflag:s29], $0x2000  }
0x135: {  	[sflag:s29] =	ssyncset.done $0x0  }
0x136: {  	[sflag:s29] =	ssyncadd.s32 $0xFFFFE000  }
0x137: {  	_ =	swait.ge [sflag:s29], $0x2000  }
0x138: {  	[sflag:s29] =	ssyncset.done $0x0  }
0x139: {  	s5 =	sadd.s32 $0x1, s5;
	[sflag:s29] =	ssyncadd.s32 $0xFFFFE000  }
0x13a: {  	p0 =	sne.s32 s5, s16;
	_ =	swait.ge [sflag:s29], $0x2000  }
.Ltmp1:
0x13b: {  	[sflag:s29] =	ssyncset.done $0x0;
	(pc) =	sbr.rel @p0 .LBB2_1-.Ltmp1, $4  }
0x13c: {  	[sflag:s29] =	ssyncadd.s32 $0xFFFFE000  }
0x13d: {  	_ =	swait.ge [sflag:s29], $0x2000  }
0x13e: {  	[sflag:s29] =	ssyncset.done $0x0  }
0x13f: {  	[sflag:s29] =	ssyncadd.s32 $0xFFFFE000  }
0x140: {  	_ =	sfence.sel $0x180000  }
0x141: {  	[bflag:$0x0] =	sbarrier.arrive $0xFFFF  }
0x142: {  	_ =	strace $0x90000047  }
0x143: {  	s0 =	stileid.u32;
	[bflag:$0x2] =	sbarrier.arrive $0xFFFF  }
0x144: {  	p0 =	sne.s32 s0, $0x0;
	s0 =	rddreg [dreg:$0x2]  }
0x145: {  	s0 =	sadd.s32 @!p0 $0x100000, s0  }
0x146: {  	[sflag:s0] =	ssyncadd.tile.s32 @!p0 $0x1;
	_ =	shalt  }
.Lfunc_end2:
_tile_overlayer_lowered:
.L_overlay_start_2:
0x147: {  	(tag) =	ssettag $0x2  }
0x148: {  	s0 =	rddreg [dreg:$0x0];
	s2 =	stileid.u32  }
0x149: {  	s1 =	rddreg [dreg:$0x1];
	p0 =	sne.s32 s2, $0x0  }
0x14a: {  	s3 =	rddreg [dreg:$0x2];
	[bflag:$0x3] =	sbarrier.arrive $0xFFFF;
	s2 =	simm.s32 @!p0 $0x1C05  }
0x14b: {  	[timem:s3], [sflag:s2] =	dma.local @!p0 [hbm:s0], s1  }
0x14c: {  	s0 =	simm.s32 @!p0 $0x5  }
0x14d: {  	_ =	swait.ge @!p0 [sflag:s0], s1  }
0x14e: {  	s1 =	ssub.s32 @!p0 $0x0, s1;
	[sflag:s0] =	ssyncset.done @!p0 $0x0  }
0x14f: {  	[sflag:s0] =	ssyncadd.s32 @!p0 s1  }
0x150: {  	[bflag:$0x3] =	sbarrier.arrive $0xFFFF  }
0x151: {  	_ =	shalt  }

// kernel: sparse-core-data-format-call.cloned.1.call-start
scs
called_computation_lowered:
.L_overlay_start_0:
0x0: {  	s2 =	sld [smem:$0x3FD9]  }
0x1: {  	s3 =	sld [smem:$0x3FFE];
	_ =	sdelay $0x1  }
0x2: {  	s1 =	srdreg.scid  }
0x3: {  	s0 =	sand.u32 $0x1, s1  }
0x4: {  	s18 =	sshll.u32 s0, $0xA;
	s2 =	sadd.s32 s3, s2  }
0x5: {  	s2 =	sadd.s32 s2, s18  }
0x6: {  	[smem:$0x3FC6] =	sst s2  }
0x7: {  	_ = 	snop  }
0x8: {  	s2 =	sld [smem:$0x3FD0];
	(tm) =	ssettm $0x1  }
0x9: {  	s19 =	sld [smem:$0x3FFB];
	_ =	sdelay $0x3  }
0xa: {  	_ =	strace s19  }
0xb: {  	s3 =	sld [smem:$0x3FFC];
	_ =	sdelay $0x3  }
0xc: {  	_ =	strace s3  }
0xd: {  	s3 =	sld [smem:$0x3FFD];
	_ =	sdelay $0x3  }
0xe: {  	_ =	strace s3  }
0xf: {  	_ =	strace $0x8FFFFFFF  }
0x10: {  	s20 =	sld [smem:$0x3FDB];
	_ =	sdelay $0x1  }
0x11: {  	s4 =	simm.s32 $_scs_section_size  }
0x12: {  	s5 =	simm.s32 $_size__tile_overlayer_lowered;
	s6 =	simm.s32 $_tile_overlayer_lowered  }
0x13: {  	s23 =	simm.s32 $0x1BFF;
	s22 =	sshll.u32 s6, $0x1;
	s3 =	sadd.s32 s4, s20  }
0x14: {  	s7 =	simm.s32 $0x0;
	s21 =	sshll.u32 s5, $0x1;
	s5 =	sadd.s32 s22, s3  }
0x15: {  	[timem:s7], [sflag:s23] =	dma.local [hbm:s5], s21  }
0x16: {  	_ =	swait.ge [sflag:s23], s21  }
0x17: {  	s4 =	ssub.s32 $0x0, s21;
	[sflag:s23] =	ssyncset.done $0x0  }
0x18: {  	[sflag:s23] =	ssyncadd.s32 s4;
	_ =	sdelay $0x1  }
0x19: {  	s24 =	simm.s32 $0x1B8B  }
0x1a: {  	_ =	swait.ge [sflag:s24], $0x1  }
0x1b: {  	[sflag:s24] =	ssyncset.done $0x0  }
0x1c: {  	s26 =	simm.s32 $0x1B8E;
	s25 =	sld [smem:$0x3FFE];
	[sflag:s24] =	ssyncadd.s32 $0xFFFFFFFF  }
0x1d: {  	s27 =	simm.s32 $execute0_lowered;
	[smem:$0x3FD2] =	sst s26  }
0x1e: {  	s5 =	sshll.u32 s27, $0x1;
	_ =	strace $0x80000049;
	[dreg:$0x1] =	wrdreg $0xFFFFFFFF  }
0x1f: {  	s28 =	simm.s32 $_size_execute0_lowered;
	s3 =	sadd.s32 s3, s5;
	[dreg:$0x0] =	wrdreg $0x0  }
0x20: {  	s5 =	sshll.u32 s28, $0x1;
	[dreg:$0x2] =	wrdreg s3  }
0x21: {  	[dreg:$0x3] =	wrdreg s5  }
0x22: {  	[dreg:$0x4] =	wrdreg $0xC0  }
0x23: {  	_ =	task [dreg:s7], $0x5FFFF  }
0x24: {  	[dreg:$0x1] =	wrdreg $0xFFFFFFFF  }
0x25: {  	[dreg:$0x0] =	wrdreg $0x60  }
0x26: {  	[dreg:$0x2] =	wrdreg s25  }
0x27: {  	[dreg:$0x3] =	wrdreg s2  }
0x28: {  	[dreg:$0x4] =	wrdreg $0x9  }
0x29: {  	_ =	task.clear_ibuf [dreg:s7], $0x5FFFF;
	_ =	strace $0x90000049  }
0x2a: {  	s29 =	simm.s32 $0x9;
	_ =	strace $0x8000004B  }
0x2b: {  	_ =	swait.ge [sflag:s29], $0x1  }
0x2c: {  	[sflag:s29] =	ssyncadd.s32 $0xFFFFFFFF  }
0x2d: {  	_ =	strace $0x9000004B  }
0x2e: {  	_ =	sfence  }
0x2f: {  	s30 =	sld [smem:$0x0];
	_ =	sdelay $0x2  }
0x30: {  	s31 =	sshll.u32 s1, $0xD;
	s1 =	sshrl.u32 s1, $0x2  }
0x31: {  	s3 =	sand.u32 $0x4000, s31;
	s1 =	sadd.s32 s1, s30  }
0x32: {  	s0 =	sor.u32 s3, s0;
	s1 =	sshll.u32 s1, $0x11  }
0x33: {  	s0 =	sor.u32 s1, s0  }
0x34: {  	s0 =	sadd.s32 $0x8F2B, s0  }
0x35: {  	[sflag:s0] =	ssyncadd.remote.s32 $0x1  }
0x36: {  	_ =	sfence.sel $0xFFFF  }
0x37: {  	[dreg:$0x0] =	wrdreg $0xFFFFFFFF;
	(pc) =	sbr.abs _section_cstart, $3  }
0x38: {  	[dreg:$0x1] =	wrdreg $0xFFFFFFFF  }
0x39: {  	_ =	task.clear_ibuf [dreg:s7], $0x2FFFF;
	_ =	strace $0x9FFFFFFF  }
0x3a: {  	(tm) =	ssettm $0x7FFFFFFF  }
0x3b: {  	_ =	shalt  }
tec
execute0_lowered:
.L_overlay_start_1:
0x0: {  	(tag) =	ssettag $0x1  }
0x1: {  	s0 =	srdreg.scid  }
0x2: {  	s1 =	sshll.u32 s0, $0x4  }
0x3: {  	s0 =	stileid.u32;
	s1 =	sand.u32 $0x10, s1  }
0x4: {  	s1 =	sor.u32 s0, s1  }
0x5: {  	s6 =	rddreg [dreg:$0x0];
	s4 =	simm.s32 $0x1;
	s2 =	sshll.u32 s1, $0x7  }
0x6: {  	s7 =	simm.s32 $0x2;
	s12 =	simm.s32 $0x0;
	s1 =	ssub.s32 $0x1000, s2  }
0x7: {  	s8 =	simm.s32 $0x8000;
	s13 =	simm.s32 $0x0;
	s3 =	sand.u32 $0xF80, s1  }
0x8: {  	s9 =	simm.s32 $0x0;
	s5 =	sshrl.u32 s1, $0xC;
	p0 =	sne.s32 s3, $0x0  }
.Ltmp0:
0x9: {  	s1 =	rddreg [dreg:$0x2];
	s4 =	simm.s32 @!p0 $0x0;
	(pc) =	sbr.rel .LBB1_1-.Ltmp0, $4  }
0xa: {  	s11 =	simm.s32 $0x0;
	s3 =	rddreg [dreg:$0x1];
	s5 =	sadd.s32 s4, s5  }
0xb: {  	_ =	strace $0x8000004A;
	s4 =	simm.s32 $0x1;
	s5 =	smul.u32 $0xC8, s5  }
0xc: {  	s6 =	sadd.s32 $0xA00, s6;
	s10 =	smov.u32 s2;
	[sflag:s4] =	ssyncpa.u1 $0x0  }
0xd: {  	p0 =	por $0x0, $0x0;
	[sflag:s7] =	ssyncpa.u1 $0x0;
	s7 =	sor.u32 $0x1, s5  }
.LBB1_4:
0xe: {  	s16 =	sshll.u32 s13, $0x3;
	s17 =	sand.u32 $0x78, s13  }
0xf: {  	s30 =	sand.u32 $0x7E00, s13;
	s12 =	sshll.u32 s12, $0xF;
	s16 =	sand.u32 $0xC00, s16  }
0x10: {  	[tilespmem:s15+$0x810 ss:$0x81] =	vst.msk $0xffff, v2;
	s31 =	sand.u32 $0x7, s13;
	s16 =	sor.u32 s17, s16;
	s17 =	sadd.s32 s3, s30  }
0x11: {  	[tilespmem:s15+$0x1020 ss:$0x81] =	vst.msk $0xffff, v0;
	s13 =	sshll.u32 s31, $0x12;
	s12 =	sadd.s32 s12, s17;
	s16 =	sshrl.u32 s16, $0x3  }
0x12: {  	[tilespmem:s15+$0x0 ss:$0x81] =	vst.msk $0xffff, v1;
	s13 =	sor.u32 $0x400, s13;
	s12 =	sadd.s32 s16, s12  }
0x13: {  	[hbm4b:s12+s13] =	stream.strided.scatter [tilespmem:s14], [sflag:$0x2], $0x2000, s8, s13, $0x20;
	[tilespmem:$0x8080] =	vst v63  }
.LBB1_5:
0x14: {  	s14 =	sadd.s32 $0x1, s9  }
0x15: {  	s12 =	sadd.s32 $0x1000, s10;
	s16 =	smov.u32 s10;
	p2 =	sgt.s32 s14, $0xC7  }
0x16: {  	s16 =	smov.u32 @p2 s12  }
0x17: {  	s14 =	simm.s32 @p2 $0x0;
	p2 =	sgt.s32 s16, $0xFFF  }
0x18: {  	s16 =	smov.u32 @p2 s2;
	p2 =	sne.s32 s11, s7  }
.Ltmp1:
0x19: {  	p1 =	slt.u32 s11, $0x2;
	(pc) =	sbr.rel @!p2 .LBB1_6-.Ltmp1, $4  }
0x1a: {  	s15 =	simm.s32 @!p1 $0x2  }
0x1b: {  	s13 =	smov.u32 s10;
	p0 =	por !p0, !p0;
	_ =	swait.ge @!p1 [sflag:s15], $0x2000  }
0x1c: {  	s12 =	smov.u32 s9;
	[sflag:s15] =	ssyncset.done @!p1 $0x0;
	s9 =	smov.u32 s14  }
0x1d: {  	s11 =	sadd.s32 $0x1, s11;
	[sflag:s15] =	ssyncadd.s32 @!p1 $0xFFFFE000;
	s10 =	smov.u32 s16  }
.LBB1_1:
0x1e: {  	p1 =	sge.u32 s11, s5  }
0x1f: {  	s14 =	sand.u32 @!p1 $0x1FFFFFF, s9  }
0x20: {  	s15 =	smulhi.u32 @!p1 $0x147AE15, s14;
	_ =	sdelay $0x1  }
0x21: {  	s15 =	smul.u32 @!p1 $0xC8, s15  }
0x22: {  	s16 =	sxor.u32 @!p1 $0xFFFFFFFF, s11;
	s17 =	smul.u32 @!p1 $0xC80, s10  }
0x23: {  	s31 =	sadd.s32 $0xFFFFFFFF, s11;
	s16 =	sshll.u32 @!p1 s16, $0xD;
	s14 =	ssub.s32 @!p1 s14, s15  }
0x24: {  	s15 =	sand.u32 @!p1 $0x2000, s16;
	s16 =	sadd.s32 @!p1 s6, s17;
	s14 =	sshll.u32 @!p1 s14, $0x4  }
0x25: {  	s17 =	simm.s32 @!p1 $0x6400;
	s14 =	sadd.s32 @!p1 s14, s16;
	s16 =	simm.s32 @!p1 $0x40  }
0x26: {  	[tilespmem:s15], [sflag:$0x1] =	stream.strided.gather @!p1 [hbm4b:s14+s16], $0x2000, s17, s16, $0x38;
	[tilespmem:$0x8080] =	vst v63  }
0x27: {  	p1 =	sge.u32 s31, s5  }
.Ltmp2:
0x28: {  	_ = 	snop;
	(pc) =	sbr.rel @p1 .LBB1_5-.Ltmp2, $1  }
0x29: {  	_ =	sdelay $0x3  }
0x2a: {  	s14 =	simm.s32 $0x1  }
0x2b: {  	_ =	swait.ge [sflag:s4], $0x2000;
	s14 =	simm.s32 @!p0 $0x0  }
0x2c: {  	[sflag:s4] =	ssyncset.done $0x0;
	s15 =	sshll.u32 s14, $0xD  }
0x2d: {  	[sflag:s4] =	ssyncadd.s32 $0xFFFFE000;
	s18 =	sor.u32 $0x20, s15  }
0x2e: {  	s14 =	smul.u32 $0x8100, s14;
	v3 =	vld [tilespmem:s18+$0x10]  }
0x2f: {  	s30 =	sand.u32 $0x1, s11;
	v2 =	vld [tilespmem:s18+$0xFFFFFFF0]  }
0x30: {  	s15 =	smul.u32 $0x8100, s30;
	s14 =	sshrl.u32 s14, $0x2;
	v0 =	vld [tilespmem:s18+$0x0]  }
0x31: {  	v1 =	vld [tilespmem:s18+$0xFFFFFFE0];
	s16 =	sor.u32 $0x4000, s14  }
0x32: {  	s31 =	sshrl.u32 s15, $0x2;
	s15 =	sadd.s32 $0x0, s16  }
0x33: {  	s17 =	simm.s32 $0x4;
	s18 =	sadd.s32 $0x40, s18;
	s14 =	sor.u32 $0x4000, s31;
	[tilespmem:s15+$0x1830 ss:$0x81] =	vst.msk $0xffff, v3  }
.LBB1_3:
0x34: {  	v3 =	vld [tilespmem:s18+$0x10];
	p1 =	sne.s32 s17, $0x1FC;
	[tilespmem:s15+$0x810 ss:$0x81] =	vst.msk $0xffff, v2;
	s19 =	smov.u32 s17;
	s17 =	sadd.s32 $0x4, s17  }
.Ltmp3:
0x35: {  	v2 =	vld [tilespmem:s18+$0xFFFFFFF0];
	[tilespmem:s15+$0x1020 ss:$0x81] =	vst.msk $0xffff, v0;
	(pc) =	sbr.rel @p1 .LBB1_3-.Ltmp3, $4  }
0x36: {  	v0 =	vld [tilespmem:s18+$0x0];
	[tilespmem:s15+$0x0 ss:$0x81] =	vst.msk $0xffff, v1  }
0x37: {  	s15 =	sshra.s32 s19, $0x2;
	v1 =	vld [tilespmem:s18+$0xFFFFFFE0]  }
0x38: {  	s15 =	sadd.s32 s15, s16  }
0x39: {  	s18 =	sadd.s32 $0x40, s18;
	[tilespmem:s15+$0x1830 ss:$0x81] =	vst.msk $0xffff, v3  }
.Ltmp4:
0x3a: {  	_ = 	snop;
	(pc) =	sbr.rel .LBB1_4-.Ltmp4, $1  }
0x3b: {  	_ =	sdelay $0x3  }
.LBB1_6:
0x3c: {  	_ =	sfence.sel $0x180000  }
0x3d: {  	s2 =	simm.s32 $0x1;
	[bflag:$0x0] =	sbarrier.arrive $0xFFFF  }
0x3e: {  	s31 =	simm.s32 $0x2;
	[sflag:s2] =	ssyncpa.u1 $0x1  }
0x3f: {  	[sflag:s31] =	ssyncpa.u1 $0x1  }
0x40: {  	p0 =	sne.s32 s0, $0x0;
	_ =	strace $0x9000004A  }
0x41: {  	s0 =	sadd.s32 @!p0 $0x100000, s1;
	[bflag:$0x2] =	sbarrier.arrive $0xFFFF  }
0x42: {  	[sflag:s0] =	ssyncadd.tile.s32 @!p0 $0x1;
	_ =	shalt  }
.Lfunc_end1:
_tile_overlayer_lowered:
.L_overlay_start_2:
0x43: {  	(tag) =	ssettag $0x2  }
0x44: {  	s0 =	rddreg [dreg:$0x0];
	s2 =	stileid.u32  }
0x45: {  	s1 =	rddreg [dreg:$0x1];
	p0 =	sne.s32 s2, $0x0  }
0x46: {  	s3 =	rddreg [dreg:$0x2];
	[bflag:$0x3] =	sbarrier.arrive $0xFFFF;
	s2 =	simm.s32 @!p0 $0x1C01  }
0x47: {  	[timem:s3], [sflag:s2] =	dma.local @!p0 [hbm:s0], s1  }
0x48: {  	s0 =	simm.s32 @!p0 $0x1  }
0x49: {  	_ =	swait.ge @!p0 [sflag:s0], s1  }
0x4a: {  	s1 =	ssub.s32 @!p0 $0x0, s1;
	[sflag:s0] =	ssyncset.done @!p0 $0x0  }
0x4b: {  	[sflag:s0] =	ssyncadd.s32 @!p0 s1  }
0x4c: {  	[bflag:$0x3] =	sbarrier.arrive $0xFFFF  }
0x4d: {  	_ =	shalt  }

</sc_bundles>
